<compile_context>
chip_gen: v7x
topology: tpu7x:2x2x1
jax: 0.10.2.dev20260603
libtpu: 0.0.44.dev20260713+nightly
codegen_flags: <defaults>
</compile_context>

<pallas_src>
import functools

import jax
import jax.numpy as jnp
from jax import lax
from jax.experimental import pallas as pl
from jax.experimental.pallas import tpu as pltpu
from jax.experimental.pallas import tpu_sc as plsc

N = 10000
D = 128
G = 64
DU = 16
BCH = 80
NCH = N // BCH
NCORES = 2
NSUB = 16
NW = NCORES * NSUB
WCH = 4
GROWS = G // NSUB
IDS_R = 80
IDS_C = 125


@functools.partial(
    pl.kernel,
    mesh=plsc.VectorSubcoreMesh(core_axis_name="c", subcore_axis_name="s"),
    out_type=jax.ShapeDtypeStruct((NCORES, G, D), jnp.float32),
    scratch_types=[
        pltpu.VMEM((WCH * BCH, D), jnp.float32),
        pltpu.VMEM((WCH * BCH,), jnp.int32),
        pltpu.VMEM((GROWS, D), jnp.float32),
        pltpu.VMEM_SHARED((G, D), jnp.float32),
        pltpu.SemaphoreType.DMA,
        pltpu.SemaphoreType.DMA,
        pltpu.SemaphoreType.DMA,
        pltpu.SemaphoreType.DMA,
    ],
)
def _sc_segment_sums(x_hbm, b1d_hbm, sums_out, xbuf, idxbuf, zsum, acc,
                     sem_i, sem_a, sem_b, sem_s):
    cid = lax.axis_index("c")
    sid = lax.axis_index("s")
    wid = cid * NSUB + sid

    zero16 = jnp.zeros((16,), jnp.float32)
    for r in range(GROWS):
        for c in range(D // 16):
            zsum[r, pl.ds(16 * c, 16)] = zero16

    base = jnp.minimum(WCH * wid, NCH - WCH)
    jmin = WCH * wid - base
    xsem = [sem_a, sem_b]
    pltpu.async_copy(b1d_hbm.at[pl.ds(base * BCH, WCH * BCH)], idxbuf, sem_i)
    for j in range(2):
        pltpu.async_copy(
            x_hbm.at[pl.ds((base + j) * BCH, BCH)],
            xbuf.at[pl.ds(j * BCH, BCH)], xsem[j % 2])
    pltpu.sync_copy(zsum, acc.at[pl.ds(GROWS * sid, GROWS)])
    pltpu.make_async_copy(
        b1d_hbm.at[pl.ds(base * BCH, WCH * BCH)], idxbuf, sem_i).wait()
    plsc.subcore_barrier()

    for j in range(WCH):
        pltpu.make_async_copy(
            x_hbm.at[pl.ds((base + j) * BCH, BCH)],
            xbuf.at[pl.ds(j * BCH, BCH)], xsem[j % 2]).wait()
        if j + 2 < WCH:
            pltpu.async_copy(
                x_hbm.at[pl.ds((base + j + 2) * BCH, BCH)],
                xbuf.at[pl.ds((j + 2) * BCH, BCH)], xsem[j % 2])

        @pl.when(j >= jmin)
        def _():
            pltpu.async_copy(
                xbuf.at[pl.ds(j * BCH, BCH)],
                acc.at[idxbuf.at[pl.ds(j * BCH, BCH)]], sem_s, add=True)
    for j in range(WCH):
        @pl.when(j >= jmin)
        def _():
            pltpu.make_async_copy(
                xbuf.at[pl.ds(j * BCH, BCH)],
                acc.at[idxbuf.at[pl.ds(j * BCH, BCH)]], sem_s).wait()

    plsc.subcore_barrier()

    @pl.when(sid == 0)
    def _():
        pltpu.sync_copy(acc, sums_out.at[cid])


def _count_body(ids_ref, inv_r):
    ids = ids_ref[...]
    cntmat = jnp.concatenate(
        [jnp.sum((ids == g).astype(jnp.float32), axis=0, keepdims=True)
         for g in range(G)], axis=0)
    cnt = jnp.sum(cntmat, axis=1, keepdims=True)
    inv_r[...] = 1.0 / jnp.maximum(cnt, 1.0)


def _mlp_body(ps, inv_r, u_r, w1u, w1x, b1_r, w2, b2_r, o_r):
    mean = (ps[0] + ps[1]) * inv_r[...]
    h = (jnp.dot(u_r[...], w1u[...], preferred_element_type=jnp.float32)
         + jnp.dot(mean, w1x[...], preferred_element_type=jnp.float32)
         + b1_r[...])
    h = jnp.where(h > 0, h, jnp.exp(jnp.minimum(h, 0.0)) - 1.0)
    o_r[...] = jnp.dot(h, w2[...], preferred_element_type=jnp.float32) + b2_r[...]


def kernel(x, edge_index, edge_attr, u, batch, W1, b1, W2, b2):
    del edge_index, edge_attr
    psums = _sc_segment_sums(x, batch)
    ids2d = jnp.pad(batch.reshape(IDS_R, IDS_C), ((0, 0), (0, 128 - IDS_C)),
                    constant_values=G)
    inv_cnt = pl.pallas_call(
        _count_body,
        out_shape=jax.ShapeDtypeStruct((G, 1), jnp.float32),
    )(ids2d)
    out = pl.pallas_call(
        _mlp_body,
        out_shape=jax.ShapeDtypeStruct((G, W2.shape[1]), jnp.float32),
    )(psums, inv_cnt, u, W1[:DU], W1[DU:], b1.reshape(1, -1), W2,
      b2.reshape(1, -1))
    return out

# --- scband reference (transcript-rebuilt; emitter-appended) ---
"""Pipeline reference for scband-global-model-86535001080078 (READ-ONLY COPY).

The authoritative reference and input builder live on the scoring server;
editing this copy changes nothing except your own understanding.
"""

import jax, jax.numpy as jnp
import numpy as np


def setup_inputs(seed: int = 0) -> dict:
    key = jax.random.key(seed)
    ks = jax.random.split(key, 8)
    N = 10000; E = 320000; D = 128; G = 64; DU = 16; DE = 16; H = 64; OUT = 128
    x = jax.random.normal(ks[0], (N, D), dtype=jnp.float32)
    edge_index = jax.random.randint(ks[1], (2, E), 0, N, dtype=jnp.int32)
    edge_attr = jax.random.normal(ks[2], (E, DE), dtype=jnp.float32)
    u = jax.random.normal(ks[3], (G, DU), dtype=jnp.float32)
    batch = jnp.sort(jax.random.randint(ks[4], (N,), 0, G, dtype=jnp.int32))
    W1 = jax.random.normal(ks[5], (DU + D, H), dtype=jnp.float32) * 0.05
    b1 = jnp.zeros((H,), dtype=jnp.float32)
    W2 = jax.random.normal(ks[6], (H, OUT), dtype=jnp.float32) * 0.05
    b2 = jnp.zeros((OUT,), dtype=jnp.float32)
    return {"x": x, "edge_index": edge_index, "edge_attr": edge_attr, "u": u, "batch": batch,
            "W1": W1, "b1": b1, "W2": W2, "b2": b2}


def reference(x, edge_index, edge_attr, u, batch, W1, b1, W2, b2):
    # scatter_mean(x, batch, dim=0) -> per-graph mean of node features
    G = u.shape[0]
    sums = jax.ops.segment_sum(x, batch, num_segments=G)
    counts = jax.ops.segment_sum(jnp.ones((x.shape[0],), dtype=x.dtype), batch, num_segments=G)
    mean = sums / jnp.maximum(counts, 1.0)[:, None]
    out = jnp.concatenate([u, mean], axis=1)
    # global_mlp: Linear(DU+D, 64) -> ELU -> Linear(64, out_channels)
    h = jax.nn.elu(out @ W1 + b1)
    return h @ W2 + b2

if __name__ == "__main__":
    import jax
    _d = setup_inputs()
    print(jax.jit(kernel)(*tuple(_d.values())))

</pallas_src>

<mosaic_0001>
#map = affine_map<(d0, d1) -> (0, 0)>
#map1 = affine_map<(d0, d1) -> (0)>
#map2 = affine_map<(d0, d1) -> (0, 0, 0)>
module attributes {stable_mosaic.version = 14 : i64} {
  func.func @_sc_segment_sums(%arg0: i32, %arg1: i32, %arg2: memref<10000x128xf32, #tpu.memory_space<hbm>>, %arg3: memref<10000xi32, #tpu.memory_space<hbm>>, %arg4: memref<2x64x128xf32, #tpu.memory_space<hbm>>, %arg5: memref<320x128xf32, #tpu.memory_space<vmem>>, %arg6: memref<320xi32, #tpu.memory_space<vmem>>, %arg7: memref<4x128xf32, #tpu.memory_space<vmem>>, %arg8: memref<64x128xf32, #tpu.memory_space<vmem_shared>>, %arg9: memref<!tpu.dma_semaphore, #tpu.memory_space<semaphore_mem>>, %arg10: memref<!tpu.dma_semaphore, #tpu.memory_space<semaphore_mem>>, %arg11: memref<!tpu.dma_semaphore, #tpu.memory_space<semaphore_mem>>, %arg12: memref<!tpu.dma_semaphore, #tpu.memory_space<semaphore_mem>>) attributes {dimension_semantics = [#tpu.dimension_semantics<core_parallel>, #tpu.dimension_semantics<subcore_parallel>], iteration_bounds = array<i64: 2, 16>, scalar_prefetch = 0 : i64, scratch_operands = 8 : i64, tpu.core_type = #tpu.core_type<sc_vector_subcore>, window_params = [{transform_indices = #map}, {transform_indices = #map1}, {transform_indices = #map2}]} {
    %mul3A = arith.constant 16 : i32
    %mul3A_0 = arith.muli %arg0, %mul3A : i32
    %add3A = arith.addi %mul3A_0, %arg1 : i32
    %broadcast_in_dim3A = arith.constant 0.000000e+00 : f32
    %broadcast_in_dim3A_1 = vector.broadcast %broadcast_in_dim3A : f32 to vector<16xf32>
    %swap3A = arith.constant 0 : i32
    %swap3A_2 = arith.index_cast %swap3A : i32 to index
    %swap3A_3 = arith.constant 0 : index
    %swap3A_4 = tpu.vector_load %arg7[%swap3A_2, %swap3A_3] {strides = array<i32>} : memref<4x128xf32, #tpu.memory_space<vmem>>, vector<1x16xf32>,
    %swap3A_5 = vector.shape_cast %swap3A_4 : vector<1x16xf32> to vector<16xf32>
    %swap3A_6 = vector.shape_cast %broadcast_in_dim3A_1 : vector<16xf32> to vector<1x16xf32>
    tpu.vector_store %arg7[%swap3A_2, %swap3A_3], %swap3A_6 {strides = array<i32>} : memref<4x128xf32, #tpu.memory_space<vmem>>, vector<1x16xf32>,
    %swap3A_7 = arith.constant 0 : i32
    %swap3A_8 = arith.index_cast %swap3A_7 : i32 to index
    %swap3A_9 = arith.constant 16 : index
    %swap3A_10 = tpu.vector_load %arg7[%swap3A_8, %swap3A_9] {strides = array<i32>} : memref<4x128xf32, #tpu.memory_space<vmem>>, vector<1x16xf32>,
    %swap3A_11 = vector.shape_cast %swap3A_10 : vector<1x16xf32> to vector<16xf32>
    %swap3A_12 = vector.shape_cast %broadcast_in_dim3A_1 : vector<16xf32> to vector<1x16xf32>
    tpu.vector_store %arg7[%swap3A_8, %swap3A_9], %swap3A_12 {strides = array<i32>} : memref<4x128xf32, #tpu.memory_space<vmem>>, vector<1x16xf32>,
    %swap3A_13 = arith.constant 0 : i32
    %swap3A_14 = arith.index_cast %swap3A_13 : i32 to index
    %swap3A_15 = arith.constant 32 : index
    %swap3A_16 = tpu.vector_load %arg7[%swap3A_14, %swap3A_15] {strides = array<i32>} : memref<4x128xf32, #tpu.memory_space<vmem>>, vector<1x16xf32>,
    %swap3A_17 = vector.shape_cast %swap3A_16 : vector<1x16xf32> to vector<16xf32>
    %swap3A_18 = vector.shape_cast %broadcast_in_dim3A_1 : vector<16xf32> to vector<1x16xf32>
    tpu.vector_store %arg7[%swap3A_14, %swap3A_15], %swap3A_18 {strides = array<i32>} : memref<4x128xf32, #tpu.memory_space<vmem>>, vector<1x16xf32>,
    %swap3A_19 = arith.constant 0 : i32
    %swap3A_20 = arith.index_cast %swap3A_19 : i32 to index
    %swap3A_21 = arith.constant 48 : index
    %swap3A_22 = tpu.vector_load %arg7[%swap3A_20, %swap3A_21] {strides = array<i32>} : memref<4x128xf32, #tpu.memory_space<vmem>>, vector<1x16xf32>,
    %swap3A_23 = vector.shape_cast %swap3A_22 : vector<1x16xf32> to vector<16xf32>
    %swap3A_24 = vector.shape_cast %broadcast_in_dim3A_1 : vector<16xf32> to vector<1x16xf32>
    tpu.vector_store %arg7[%swap3A_20, %swap3A_21], %swap3A_24 {strides = array<i32>} : memref<4x128xf32, #tpu.memory_space<vmem>>, vector<1x16xf32>,
    %swap3A_25 = arith.constant 0 : i32
    %swap3A_26 = arith.index_cast %swap3A_25 : i32 to index
    %swap3A_27 = arith.constant 64 : index
    %swap3A_28 = tpu.vector_load %arg7[%swap3A_26, %swap3A_27] {strides = array<i32>} : memref<4x128xf32, #tpu.memory_space<vmem>>, vector<1x16xf32>,
    %swap3A_29 = vector.shape_cast %swap3A_28 : vector<1x16xf32> to vector<16xf32>
    %swap3A_30 = vector.shape_cast %broadcast_in_dim3A_1 : vector<16xf32> to vector<1x16xf32>
    tpu.vector_store %arg7[%swap3A_26, %swap3A_27], %swap3A_30 {strides = array<i32>} : memref<4x128xf32, #tpu.memory_space<vmem>>, vector<1x16xf32>,
    %swap3A_31 = arith.constant 0 : i32
    %swap3A_32 = arith.index_cast %swap3A_31 : i32 to index
    %swap3A_33 = arith.constant 80 : index
    %swap3A_34 = tpu.vector_load %arg7[%swap3A_32, %swap3A_33] {strides = array<i32>} : memref<4x128xf32, #tpu.memory_space<vmem>>, vector<1x16xf32>,
    %swap3A_35 = vector.shape_cast %swap3A_34 : vector<1x16xf32> to vector<16xf32>
    %swap3A_36 = vector.shape_cast %broadcast_in_dim3A_1 : vector<16xf32> to vector<1x16xf32>
    tpu.vector_store %arg7[%swap3A_32, %swap3A_33], %swap3A_36 {strides = array<i32>} : memref<4x128xf32, #tpu.memory_space<vmem>>, vector<1x16xf32>,
    %swap3A_37 = arith.constant 0 : i32
    %swap3A_38 = arith.index_cast %swap3A_37 : i32 to index
    %swap3A_39 = arith.constant 96 : index
    %swap3A_40 = tpu.vector_load %arg7[%swap3A_38, %swap3A_39] {strides = array<i32>} : memref<4x128xf32, #tpu.memory_space<vmem>>, vector<1x16xf32>,
    %swap3A_41 = vector.shape_cast %swap3A_40 : vector<1x16xf32> to vector<16xf32>
    %swap3A_42 = vector.shape_cast %broadcast_in_dim3A_1 : vector<16xf32> to vector<1x16xf32>
    tpu.vector_store %arg7[%swap3A_38, %swap3A_39], %swap3A_42 {strides = array<i32>} : memref<4x128xf32, #tpu.memory_space<vmem>>, vector<1x16xf32>,
    %swap3A_43 = arith.constant 0 : i32
    %swap3A_44 = arith.index_cast %swap3A_43 : i32 to index
    %swap3A_45 = arith.constant 112 : index
    %swap3A_46 = tpu.vector_load %arg7[%swap3A_44, %swap3A_45] {strides = array<i32>} : memref<4x128xf32, #tpu.memory_space<vmem>>, vector<1x16xf32>,
    %swap3A_47 = vector.shape_cast %swap3A_46 : vector<1x16xf32> to vector<16xf32>
    %swap3A_48 = vector.shape_cast %broadcast_in_dim3A_1 : vector<16xf32> to vector<1x16xf32>
    tpu.vector_store %arg7[%swap3A_44, %swap3A_45], %swap3A_48 {strides = array<i32>} : memref<4x128xf32, #tpu.memory_space<vmem>>, vector<1x16xf32>,
    %swap3A_49 = arith.constant 1 : i32
    %swap3A_50 = arith.index_cast %swap3A_49 : i32 to index
    %swap3A_51 = arith.constant 0 : index
    %swap3A_52 = tpu.vector_load %arg7[%swap3A_50, %swap3A_51] {strides = array<i32>} : memref<4x128xf32, #tpu.memory_space<vmem>>, vector<1x16xf32>,
    %swap3A_53 = vector.shape_cast %swap3A_52 : vector<1x16xf32> to vector<16xf32>
    %swap3A_54 = vector.shape_cast %broadcast_in_dim3A_1 : vector<16xf32> to vector<1x16xf32>
    tpu.vector_store %arg7[%swap3A_50, %swap3A_51], %swap3A_54 {strides = array<i32>} : memref<4x128xf32, #tpu.memory_space<vmem>>, vector<1x16xf32>,
    %swap3A_55 = arith.constant 1 : i32
    %swap3A_56 = arith.index_cast %swap3A_55 : i32 to index
    %swap3A_57 = arith.constant 16 : index
    %swap3A_58 = tpu.vector_load %arg7[%swap3A_56, %swap3A_57] {strides = array<i32>} : memref<4x128xf32, #tpu.memory_space<vmem>>, vector<1x16xf32>,
    %swap3A_59 = vector.shape_cast %swap3A_58 : vector<1x16xf32> to vector<16xf32>
    %swap3A_60 = vector.shape_cast %broadcast_in_dim3A_1 : vector<16xf32> to vector<1x16xf32>
    tpu.vector_store %arg7[%swap3A_56, %swap3A_57], %swap3A_60 {strides = array<i32>} : memref<4x128xf32, #tpu.memory_space<vmem>>, vector<1x16xf32>,
    %swap3A_61 = arith.constant 1 : i32
    %swap3A_62 = arith.index_cast %swap3A_61 : i32 to index
    %swap3A_63 = arith.constant 32 : index
    %swap3A_64 = tpu.vector_load %arg7[%swap3A_62, %swap3A_63] {strides = array<i32>} : memref<4x128xf32, #tpu.memory_space<vmem>>, vector<1x16xf32>,
    %swap3A_65 = vector.shape_cast %swap3A_64 : vector<1x16xf32> to vector<16xf32>
    %swap3A_66 = vector.shape_cast %broadcast_in_dim3A_1 : vector<16xf32> to vector<1x16xf32>
    tpu.vector_store %arg7[%swap3A_62, %swap3A_63], %swap3A_66 {strides = array<i32>} : memref<4x128xf32, #tpu.memory_space<vmem>>, vector<1x16xf32>,
    %swap3A_67 = arith.constant 1 : i32
    %swap3A_68 = arith.index_cast %swap3A_67 : i32 to index
    %swap3A_69 = arith.constant 48 : index
    %swap3A_70 = tpu.vector_load %arg7[%swap3A_68, %swap3A_69] {strides = array<i32>} : memref<4x128xf32, #tpu.memory_space<vmem>>, vector<1x16xf32>,
    %swap3A_71 = vector.shape_cast %swap3A_70 : vector<1x16xf32> to vector<16xf32>
    %swap3A_72 = vector.shape_cast %broadcast_in_dim3A_1 : vector<16xf32> to vector<1x16xf32>
    tpu.vector_store %arg7[%swap3A_68, %swap3A_69], %swap3A_72 {strides = array<i32>} : memref<4x128xf32, #tpu.memory_space<vmem>>, vector<1x16xf32>,
    %swap3A_73 = arith.constant 1 : i32
    %swap3A_74 = arith.index_cast %swap3A_73 : i32 to index
    %swap3A_75 = arith.constant 64 : index
    %swap3A_76 = tpu.vector_load %arg7[%swap3A_74, %swap3A_75] {strides = array<i32>} : memref<4x128xf32, #tpu.memory_space<vmem>>, vector<1x16xf32>,
    %swap3A_77 = vector.shape_cast %swap3A_76 : vector<1x16xf32> to vector<16xf32>
    %swap3A_78 = vector.shape_cast %broadcast_in_dim3A_1 : vector<16xf32> to vector<1x16xf32>
    tpu.vector_store %arg7[%swap3A_74, %swap3A_75], %swap3A_78 {strides = array<i32>} : memref<4x128xf32, #tpu.memory_space<vmem>>, vector<1x16xf32>,
    %swap3A_79 = arith.constant 1 : i32
    %swap3A_80 = arith.index_cast %swap3A_79 : i32 to index
    %swap3A_81 = arith.constant 80 : index
    %swap3A_82 = tpu.vector_load %arg7[%swap3A_80, %swap3A_81] {strides = array<i32>} : memref<4x128xf32, #tpu.memory_space<vmem>>, vector<1x16xf32>,
    %swap3A_83 = vector.shape_cast %swap3A_82 : vector<1x16xf32> to vector<16xf32>
    %swap3A_84 = vector.shape_cast %broadcast_in_dim3A_1 : vector<16xf32> to vector<1x16xf32>
    tpu.vector_store %arg7[%swap3A_80, %swap3A_81], %swap3A_84 {strides = array<i32>} : memref<4x128xf32, #tpu.memory_space<vmem>>, vector<1x16xf32>,
    %swap3A_85 = arith.constant 1 : i32
    %swap3A_86 = arith.index_cast %swap3A_85 : i32 to index
    %swap3A_87 = arith.constant 96 : index
    %swap3A_88 = tpu.vector_load %arg7[%swap3A_86, %swap3A_87] {strides = array<i32>} : memref<4x128xf32, #tpu.memory_space<vmem>>, vector<1x16xf32>,
    %swap3A_89 = vector.shape_cast %swap3A_88 : vector<1x16xf32> to vector<16xf32>
    %swap3A_90 = vector.shape_cast %broadcast_in_dim3A_1 : vector<16xf32> to vector<1x16xf32>
    tpu.vector_store %arg7[%swap3A_86, %swap3A_87], %swap3A_90 {strides = array<i32>} : memref<4x128xf32, #tpu.memory_space<vmem>>, vector<1x16xf32>,
    %swap3A_91 = arith.constant 1 : i32
    %swap3A_92 = arith.index_cast %swap3A_91 : i32 to index
    %swap3A_93 = arith.constant 112 : index
    %swap3A_94 = tpu.vector_load %arg7[%swap3A_92, %swap3A_93] {strides = array<i32>} : memref<4x128xf32, #tpu.memory_space<vmem>>, vector<1x16xf32>,
    %swap3A_95 = vector.shape_cast %swap3A_94 : vector<1x16xf32> to vector<16xf32>
    %swap3A_96 = vector.shape_cast %broadcast_in_dim3A_1 : vector<16xf32> to vector<1x16xf32>
    tpu.vector_store %arg7[%swap3A_92, %swap3A_93], %swap3A_96 {strides = array<i32>} : memref<4x128xf32, #tpu.memory_space<vmem>>, vector<1x16xf32>,
    %swap3A_97 = arith.constant 2 : i32
    %swap3A_98 = arith.index_cast %swap3A_97 : i32 to index
    %swap3A_99 = arith.constant 0 : index
    %swap3A_100 = tpu.vector_load %arg7[%swap3A_98, %swap3A_99] {strides = array<i32>} : memref<4x128xf32, #tpu.memory_space<vmem>>, vector<1x16xf32>,
    %swap3A_101 = vector.shape_cast %swap3A_100 : vector<1x16xf32> to vector<16xf32>
    %swap3A_102 = vector.shape_cast %broadcast_in_dim3A_1 : vector<16xf32> to vector<1x16xf32>
    tpu.vector_store %arg7[%swap3A_98, %swap3A_99], %swap3A_102 {strides = array<i32>} : memref<4x128xf32, #tpu.memory_space<vmem>>, vector<1x16xf32>,
    %swap3A_103 = arith.constant 2 : i32
    %swap3A_104 = arith.index_cast %swap3A_103 : i32 to index
    %swap3A_105 = arith.constant 16 : index
    %swap3A_106 = tpu.vector_load %arg7[%swap3A_104, %swap3A_105] {strides = array<i32>} : memref<4x128xf32, #tpu.memory_space<vmem>>, vector<1x16xf32>,
    %swap3A_107 = vector.shape_cast %swap3A_106 : vector<1x16xf32> to vector<16xf32>
    %swap3A_108 = vector.shape_cast %broadcast_in_dim3A_1 : vector<16xf32> to vector<1x16xf32>
    tpu.vector_store %arg7[%swap3A_104, %swap3A_105], %swap3A_108 {strides = array<i32>} : memref<4x128xf32, #tpu.memory_space<vmem>>, vector<1x16xf32>,
    %swap3A_109 = arith.constant 2 : i32
    %swap3A_110 = arith.index_cast %swap3A_109 : i32 to index
    %swap3A_111 = arith.constant 32 : index
    %swap3A_112 = tpu.vector_load %arg7[%swap3A_110, %swap3A_111] {strides = array<i32>} : memref<4x128xf32, #tpu.memory_space<vmem>>, vector<1x16xf32>,
    %swap3A_113 = vector.shape_cast %swap3A_112 : vector<1x16xf32> to vector<16xf32>
    %swap3A_114 = vector.shape_cast %broadcast_in_dim3A_1 : vector<16xf32> to vector<1x16xf32>
    tpu.vector_store %arg7[%swap3A_110, %swap3A_111], %swap3A_114 {strides = array<i32>} : memref<4x128xf32, #tpu.memory_space<vmem>>, vector<1x16xf32>,
    %swap3A_115 = arith.constant 2 : i32
    %swap3A_116 = arith.index_cast %swap3A_115 : i32 to index
    %swap3A_117 = arith.constant 48 : index
    %swap3A_118 = tpu.vector_load %arg7[%swap3A_116, %swap3A_117] {strides = array<i32>} : memref<4x128xf32, #tpu.memory_space<vmem>>, vector<1x16xf32>,
    %swap3A_119 = vector.shape_cast %swap3A_118 : vector<1x16xf32> to vector<16xf32>
    %swap3A_120 = vector.shape_cast %broadcast_in_dim3A_1 : vector<16xf32> to vector<1x16xf32>
    tpu.vector_store %arg7[%swap3A_116, %swap3A_117], %swap3A_120 {strides = array<i32>} : memref<4x128xf32, #tpu.memory_space<vmem>>, vector<1x16xf32>,
    %swap3A_121 = arith.constant 2 : i32
    %swap3A_122 = arith.index_cast %swap3A_121 : i32 to index
    %swap3A_123 = arith.constant 64 : index
    %swap3A_124 = tpu.vector_load %arg7[%swap3A_122, %swap3A_123] {strides = array<i32>} : memref<4x128xf32, #tpu.memory_space<vmem>>, vector<1x16xf32>,
    %swap3A_125 = vector.shape_cast %swap3A_124 : vector<1x16xf32> to vector<16xf32>
    %swap3A_126 = vector.shape_cast %broadcast_in_dim3A_1 : vector<16xf32> to vector<1x16xf32>
    tpu.vector_store %arg7[%swap3A_122, %swap3A_123], %swap3A_126 {strides = array<i32>} : memref<4x128xf32, #tpu.memory_space<vmem>>, vector<1x16xf32>,
    %swap3A_127 = arith.constant 2 : i32
    %swap3A_128 = arith.index_cast %swap3A_127 : i32 to index
    %swap3A_129 = arith.constant 80 : index
    %swap3A_130 = tpu.vector_load %arg7[%swap3A_128, %swap3A_129] {strides = array<i32>} : memref<4x128xf32, #tpu.memory_space<vmem>>, vector<1x16xf32>,
    %swap3A_131 = vector.shape_cast %swap3A_130 : vector<1x16xf32> to vector<16xf32>
    %swap3A_132 = vector.shape_cast %broadcast_in_dim3A_1 : vector<16xf32> to vector<1x16xf32>
    tpu.vector_store %arg7[%swap3A_128, %swap3A_129], %swap3A_132 {strides = array<i32>} : memref<4x128xf32, #tpu.memory_space<vmem>>, vector<1x16xf32>,
    %swap3A_133 = arith.constant 2 : i32
    %swap3A_134 = arith.index_cast %swap3A_133 : i32 to index
    %swap3A_135 = arith.constant 96 : index
    %swap3A_136 = tpu.vector_load %arg7[%swap3A_134, %swap3A_135] {strides = array<i32>} : memref<4x128xf32, #tpu.memory_space<vmem>>, vector<1x16xf32>,
    %swap3A_137 = vector.shape_cast %swap3A_136 : vector<1x16xf32> to vector<16xf32>
    %swap3A_138 = vector.shape_cast %broadcast_in_dim3A_1 : vector<16xf32> to vector<1x16xf32>
    tpu.vector_store %arg7[%swap3A_134, %swap3A_135], %swap3A_138 {strides = array<i32>} : memref<4x128xf32, #tpu.memory_space<vmem>>, vector<1x16xf32>,
    %swap3A_139 = arith.constant 2 : i32
    %swap3A_140 = arith.index_cast %swap3A_139 : i32 to index
    %swap3A_141 = arith.constant 112 : index
    %swap3A_142 = tpu.vector_load %arg7[%swap3A_140, %swap3A_141] {strides = array<i32>} : memref<4x128xf32, #tpu.memory_space<vmem>>, vector<1x16xf32>,
    %swap3A_143 = vector.shape_cast %swap3A_142 : vector<1x16xf32> to vector<16xf32>
    %swap3A_144 = vector.shape_cast %broadcast_in_dim3A_1 : vector<16xf32> to vector<1x16xf32>
    tpu.vector_store %arg7[%swap3A_140, %swap3A_141], %swap3A_144 {strides = array<i32>} : memref<4x128xf32, #tpu.memory_space<vmem>>, vector<1x16xf32>,
    %swap3A_145 = arith.constant 3 : i32
    %swap3A_146 = arith.index_cast %swap3A_145 : i32 to index
    %swap3A_147 = arith.constant 0 : index
    %swap3A_148 = tpu.vector_load %arg7[%swap3A_146, %swap3A_147] {strides = array<i32>} : memref<4x128xf32, #tpu.memory_space<vmem>>, vector<1x16xf32>,
    %swap3A_149 = vector.shape_cast %swap3A_148 : vector<1x16xf32> to vector<16xf32>
    %swap3A_150 = vector.shape_cast %broadcast_in_dim3A_1 : vector<16xf32> to vector<1x16xf32>
    tpu.vector_store %arg7[%swap3A_146, %swap3A_147], %swap3A_150 {strides = array<i32>} : memref<4x128xf32, #tpu.memory_space<vmem>>, vector<1x16xf32>,
    %swap3A_151 = arith.constant 3 : i32
    %swap3A_152 = arith.index_cast %swap3A_151 : i32 to index
    %swap3A_153 = arith.constant 16 : index
    %swap3A_154 = tpu.vector_load %arg7[%swap3A_152, %swap3A_153] {strides = array<i32>} : memref<4x128xf32, #tpu.memory_space<vmem>>, vector<1x16xf32>,
    %swap3A_155 = vector.shape_cast %swap3A_154 : vector<1x16xf32> to vector<16xf32>
    %swap3A_156 = vector.shape_cast %broadcast_in_dim3A_1 : vector<16xf32> to vector<1x16xf32>
    tpu.vector_store %arg7[%swap3A_152, %swap3A_153], %swap3A_156 {strides = array<i32>} : memref<4x128xf32, #tpu.memory_space<vmem>>, vector<1x16xf32>,
    %swap3A_157 = arith.constant 3 : i32
    %swap3A_158 = arith.index_cast %swap3A_157 : i32 to index
    %swap3A_159 = arith.constant 32 : index
    %swap3A_160 = tpu.vector_load %arg7[%swap3A_158, %swap3A_159] {strides = array<i32>} : memref<4x128xf32, #tpu.memory_space<vmem>>, vector<1x16xf32>,
    %swap3A_161 = vector.shape_cast %swap3A_160 : vector<1x16xf32> to vector<16xf32>
    %swap3A_162 = vector.shape_cast %broadcast_in_dim3A_1 : vector<16xf32> to vector<1x16xf32>
    tpu.vector_store %arg7[%swap3A_158, %swap3A_159], %swap3A_162 {strides = array<i32>} : memref<4x128xf32, #tpu.memory_space<vmem>>, vector<1x16xf32>,
    %swap3A_163 = arith.constant 3 : i32
    %swap3A_164 = arith.index_cast %swap3A_163 : i32 to index
    %swap3A_165 = arith.constant 48 : index
    %swap3A_166 = tpu.vector_load %arg7[%swap3A_164, %swap3A_165] {strides = array<i32>} : memref<4x128xf32, #tpu.memory_space<vmem>>, vector<1x16xf32>,
    %swap3A_167 = vector.shape_cast %swap3A_166 : vector<1x16xf32> to vector<16xf32>
    %swap3A_168 = vector.shape_cast %broadcast_in_dim3A_1 : vector<16xf32> to vector<1x16xf32>
    tpu.vector_store %arg7[%swap3A_164, %swap3A_165], %swap3A_168 {strides = array<i32>} : memref<4x128xf32, #tpu.memory_space<vmem>>, vector<1x16xf32>,
    %swap3A_169 = arith.constant 3 : i32
    %swap3A_170 = arith.index_cast %swap3A_169 : i32 to index
    %swap3A_171 = arith.constant 64 : index
    %swap3A_172 = tpu.vector_load %arg7[%swap3A_170, %swap3A_171] {strides = array<i32>} : memref<4x128xf32, #tpu.memory_space<vmem>>, vector<1x16xf32>,
    %swap3A_173 = vector.shape_cast %swap3A_172 : vector<1x16xf32> to vector<16xf32>
    %swap3A_174 = vector.shape_cast %broadcast_in_dim3A_1 : vector<16xf32> to vector<1x16xf32>
    tpu.vector_store %arg7[%swap3A_170, %swap3A_171], %swap3A_174 {strides = array<i32>} : memref<4x128xf32, #tpu.memory_space<vmem>>, vector<1x16xf32>,
    %swap3A_175 = arith.constant 3 : i32
    %swap3A_176 = arith.index_cast %swap3A_175 : i32 to index
    %swap3A_177 = arith.constant 80 : index
    %swap3A_178 = tpu.vector_load %arg7[%swap3A_176, %swap3A_177] {strides = array<i32>} : memref<4x128xf32, #tpu.memory_space<vmem>>, vector<1x16xf32>,
    %swap3A_179 = vector.shape_cast %swap3A_178 : vector<1x16xf32> to vector<16xf32>
    %swap3A_180 = vector.shape_cast %broadcast_in_dim3A_1 : vector<16xf32> to vector<1x16xf32>
    tpu.vector_store %arg7[%swap3A_176, %swap3A_177], %swap3A_180 {strides = array<i32>} : memref<4x128xf32, #tpu.memory_space<vmem>>, vector<1x16xf32>,
    %swap3A_181 = arith.constant 3 : i32
    %swap3A_182 = arith.index_cast %swap3A_181 : i32 to index
    %swap3A_183 = arith.constant 96 : index
    %swap3A_184 = tpu.vector_load %arg7[%swap3A_182, %swap3A_183] {strides = array<i32>} : memref<4x128xf32, #tpu.memory_space<vmem>>, vector<1x16xf32>,
    %swap3A_185 = vector.shape_cast %swap3A_184 : vector<1x16xf32> to vector<16xf32>
    %swap3A_186 = vector.shape_cast %broadcast_in_dim3A_1 : vector<16xf32> to vector<1x16xf32>
    tpu.vector_store %arg7[%swap3A_182, %swap3A_183], %swap3A_186 {strides = array<i32>} : memref<4x128xf32, #tpu.memory_space<vmem>>, vector<1x16xf32>,
    %swap3A_187 = arith.constant 3 : i32
    %swap3A_188 = arith.index_cast %swap3A_187 : i32 to index
    %swap3A_189 = arith.constant 112 : index
    %swap3A_190 = tpu.vector_load %arg7[%swap3A_188, %swap3A_189] {strides = array<i32>} : memref<4x128xf32, #tpu.memory_space<vmem>>, vector<1x16xf32>,
    %swap3A_191 = vector.shape_cast %swap3A_190 : vector<1x16xf32> to vector<16xf32>
    %swap3A_192 = vector.shape_cast %broadcast_in_dim3A_1 : vector<16xf32> to vector<1x16xf32>
    tpu.vector_store %arg7[%swap3A_188, %swap3A_189], %swap3A_192 {strides = array<i32>} : memref<4x128xf32, #tpu.memory_space<vmem>>, vector<1x16xf32>,
    %mul3A_193 = arith.constant 4 : i32
    %mul3A_194 = arith.muli %mul3A_193, %add3A : i32
    %min3A = arith.constant 121 : i32
    %min3A_195 = arith.minsi %mul3A_194, %min3A : i32
    %mul3A_196 = arith.constant 4 : i32
    %mul3A_197 = arith.muli %mul3A_196, %add3A : i32
    %sub3A = arith.subi %mul3A_197, %min3A_195 : i32
    %mul3A_198 = arith.constant 80 : i32
    %mul3A_199 = arith.muli %min3A_195, %mul3A_198 : i32
    %dma_start3A = tpu.memref_slice %arg3[%mul3A_199] : memref<10000xi32, #tpu.memory_space<hbm>> -> memref<320xi32, #tpu.memory_space<hbm>>
    %dma_start3A_200 = tpu.memref_slice %arg3[%mul3A_199] : memref<10000xi32, #tpu.memory_space<hbm>> -> memref<320xi32, #tpu.memory_space<hbm>>
    tpu.enqueue_dma source(%dma_start3A_200 : memref<320xi32, #tpu.memory_space<hbm>>) target(%arg6 : memref<320xi32, #tpu.memory_space<vmem>>) target_semaphore(%arg9 : memref<!tpu.dma_semaphore, #tpu.memory_space<semaphore_mem>>)
    %add3A_201 = arith.constant 0 : i32
    %add3A_202 = arith.addi %min3A_195, %add3A_201 : i32
    %mul3A_203 = arith.constant 80 : i32
    %mul3A_204 = arith.muli %add3A_202, %mul3A_203 : i32
    %dma_start3A_205 = arith.constant 0 : i32
    %dma_start3A_206 = arith.constant 0 : i32
    %dma_start3A_207 = tpu.memref_slice %arg5[%dma_start3A_205, %dma_start3A_206] : memref<320x128xf32, #tpu.memory_space<vmem>> -> memref<80x128xf32, #tpu.memory_space<vmem>>
    %dma_start3A_208 = arith.constant 0 : i32
    %dma_start3A_209 = tpu.memref_slice %arg2[%mul3A_204, %dma_start3A_208] : memref<10000x128xf32, #tpu.memory_space<hbm>> -> memref<80x128xf32, #tpu.memory_space<hbm>>
    %dma_start3A_210 = arith.constant 0 : i32
    %dma_start3A_211 = arith.constant 0 : i32
    %dma_start3A_212 = tpu.memref_slice %arg5[%dma_start3A_210, %dma_start3A_211] : memref<320x128xf32, #tpu.memory_space<vmem>> -> memref<80x128xf32, #tpu.memory_space<vmem>>
    %dma_start3A_213 = arith.constant 0 : i32
    %dma_start3A_214 = tpu.memref_slice %arg2[%mul3A_204, %dma_start3A_213] : memref<10000x128xf32, #tpu.memory_space<hbm>> -> memref<80x128xf32, #tpu.memory_space<hbm>>
    tpu.enqueue_dma source(%dma_start3A_214 : memref<80x128xf32, #tpu.memory_space<hbm>>) target(%dma_start3A_212 : memref<80x128xf32, #tpu.memory_space<vmem>>) target_semaphore(%arg10 : memref<!tpu.dma_semaphore, #tpu.memory_space<semaphore_mem>>)
    %add3A_215 = arith.constant 1 : i32
    %add3A_216 = arith.addi %min3A_195, %add3A_215 : i32
    %mul3A_217 = arith.constant 80 : i32
    %mul3A_218 = arith.muli %add3A_216, %mul3A_217 : i32
    %dma_start3A_219 = arith.constant 80 : i32
    %dma_start3A_220 = arith.constant 0 : i32
    %dma_start3A_221 = tpu.memref_slice %arg5[%dma_start3A_219, %dma_start3A_220] : memref<320x128xf32, #tpu.memory_space<vmem>> -> memref<80x128xf32, #tpu.memory_space<vmem>>
    %dma_start3A_222 = arith.constant 0 : i32
    %dma_start3A_223 = tpu.memref_slice %arg2[%mul3A_218, %dma_start3A_222] : memref<10000x128xf32, #tpu.memory_space<hbm>> -> memref<80x128xf32, #tpu.memory_space<hbm>>
    %dma_start3A_224 = arith.constant 80 : i32
    %dma_start3A_225 = arith.constant 0 : i32
    %dma_start3A_226 = tpu.memref_slice %arg5[%dma_start3A_224, %dma_start3A_225] : memref<320x128xf32, #tpu.memory_space<vmem>> -> memref<80x128xf32, #tpu.memory_space<vmem>>
    %dma_start3A_227 = arith.constant 0 : i32
    %dma_start3A_228 = tpu.memref_slice %arg2[%mul3A_218, %dma_start3A_227] : memref<10000x128xf32, #tpu.memory_space<hbm>> -> memref<80x128xf32, #tpu.memory_space<hbm>>
    tpu.enqueue_dma source(%dma_start3A_228 : memref<80x128xf32, #tpu.memory_space<hbm>>) target(%dma_start3A_226 : memref<80x128xf32, #tpu.memory_space<vmem>>) target_semaphore(%arg11 : memref<!tpu.dma_semaphore, #tpu.memory_space<semaphore_mem>>)
    %mul3A_229 = arith.constant 4 : i32
    %mul3A_230 = arith.muli %mul3A_229, %arg1 : i32
    "tpu.region"() ({
      %run_scoped3A = tpu.sem_alloc : memref<!tpu.dma_semaphore, #tpu.memory_space<semaphore_mem>>
      %dma_start3A_364 = arith.constant 0 : i32
      %dma_start3A_365 = tpu.memref_slice %arg8[%mul3A_230, %dma_start3A_364] : memref<64x128xf32, #tpu.memory_space<vmem_shared>> -> memref<4x128xf32, #tpu.memory_space<vmem_shared>>
      %dma_start3A_366 = arith.constant 0 : i32
      %dma_start3A_367 = tpu.memref_slice %arg8[%mul3A_230, %dma_start3A_366] : memref<64x128xf32, #tpu.memory_space<vmem_shared>> -> memref<4x128xf32, #tpu.memory_space<vmem_shared>>
      tpu.enqueue_dma source(%arg7 : memref<4x128xf32, #tpu.memory_space<vmem>>) target(%dma_start3A_367 : memref<4x128xf32, #tpu.memory_space<vmem_shared>>) target_semaphore(%run_scoped3A : memref<!tpu.dma_semaphore, #tpu.memory_space<semaphore_mem>>)
      %dma_wait3A_368 = arith.constant 0 : i32
      %dma_wait3A_369 = tpu.memref_slice %arg8[%mul3A_230, %dma_wait3A_368] : memref<64x128xf32, #tpu.memory_space<vmem_shared>> -> memref<4x128xf32, #tpu.memory_space<vmem_shared>>
      %dma_wait3A_370 = arith.constant 0 : i32
      %dma_wait3A_371 = tpu.memref_slice %arg8[%mul3A_230, %dma_wait3A_370] : memref<64x128xf32, #tpu.memory_space<vmem_shared>> -> memref<4x128xf32, #tpu.memory_space<vmem_shared>>
      tpu.wait_dma2 semaphore(%run_scoped3A : memref<!tpu.dma_semaphore, #tpu.memory_space<semaphore_mem>>) src(%arg7 : memref<4x128xf32, #tpu.memory_space<vmem>>) dst(%dma_wait3A_371 : memref<4x128xf32, #tpu.memory_space<vmem_shared>>)
      tpu.yield
    }) : () -> ()
    %mul3A_231 = arith.constant 80 : i32
    %mul3A_232 = arith.muli %min3A_195, %mul3A_231 : i32
    %dma_wait3A = tpu.memref_slice %arg3[%mul3A_232] : memref<10000xi32, #tpu.memory_space<hbm>> -> memref<320xi32, #tpu.memory_space<hbm>>
    %dma_wait3A_233 = tpu.memref_slice %arg3[%mul3A_232] : memref<10000xi32, #tpu.memory_space<hbm>> -> memref<320xi32, #tpu.memory_space<hbm>>
    tpu.wait_dma2 semaphore(%arg9 : memref<!tpu.dma_semaphore, #tpu.memory_space<semaphore_mem>>) src(%dma_wait3A_233 : memref<320xi32, #tpu.memory_space<hbm>>) dst(%arg6 : memref<320xi32, #tpu.memory_space<vmem>>)
    %barrier3A = arith.constant 0 : index
    tpu.barrier barrier_id(%barrier3A)
    %add3A_234 = arith.constant 0 : i32
    %add3A_235 = arith.addi %min3A_195, %add3A_234 : i32
    %mul3A_236 = arith.constant 80 : i32
    %mul3A_237 = arith.muli %add3A_235, %mul3A_236 : i32
    %dma_wait3A_238 = arith.constant 0 : i32
    %dma_wait3A_239 = arith.constant 0 : i32
    %dma_wait3A_240 = tpu.memref_slice %arg5[%dma_wait3A_238, %dma_wait3A_239] : memref<320x128xf32, #tpu.memory_space<vmem>> -> memref<80x128xf32, #tpu.memory_space<vmem>>
    %dma_wait3A_241 = arith.constant 0 : i32
    %dma_wait3A_242 = tpu.memref_slice %arg2[%mul3A_237, %dma_wait3A_241] : memref<10000x128xf32, #tpu.memory_space<hbm>> -> memref<80x128xf32, #tpu.memory_space<hbm>>
    %dma_wait3A_243 = arith.constant 0 : i32
    %dma_wait3A_244 = arith.constant 0 : i32
    %dma_wait3A_245 = tpu.memref_slice %arg5[%dma_wait3A_243, %dma_wait3A_244] : memref<320x128xf32, #tpu.memory_space<vmem>> -> memref<80x128xf32, #tpu.memory_space<vmem>>
    %dma_wait3A_246 = arith.constant 0 : i32
    %dma_wait3A_247 = tpu.memref_slice %arg2[%mul3A_237, %dma_wait3A_246] : memref<10000x128xf32, #tpu.memory_space<hbm>> -> memref<80x128xf32, #tpu.memory_space<hbm>>
    tpu.wait_dma2 semaphore(%arg10 : memref<!tpu.dma_semaphore, #tpu.memory_space<semaphore_mem>>) src(%dma_wait3A_247 : memref<80x128xf32, #tpu.memory_space<hbm>>) dst(%dma_wait3A_245 : memref<80x128xf32, #tpu.memory_space<vmem>>)
    %add3A_248 = arith.constant 0 : i32
    %add3A_249 = arith.addi %min3A_195, %add3A_248 : i32
    %add3A_250 = arith.constant 2 : i32
    %add3A_251 = arith.addi %add3A_249, %add3A_250 : i32
    %mul3A_252 = arith.constant 80 : i32
    %mul3A_253 = arith.muli %add3A_251, %mul3A_252 : i32
    %dma_start3A_254 = arith.constant 160 : i32
    %dma_start3A_255 = arith.constant 0 : i32
    %dma_start3A_256 = tpu.memref_slice %arg5[%dma_start3A_254, %dma_start3A_255] : memref<320x128xf32, #tpu.memory_space<vmem>> -> memref<80x128xf32, #tpu.memory_space<vmem>>
    %dma_start3A_257 = arith.constant 0 : i32
    %dma_start3A_258 = tpu.memref_slice %arg2[%mul3A_253, %dma_start3A_257] : memref<10000x128xf32, #tpu.memory_space<hbm>> -> memref<80x128xf32, #tpu.memory_space<hbm>>
    %dma_start3A_259 = arith.constant 160 : i32
    %dma_start3A_260 = arith.constant 0 : i32
    %dma_start3A_261 = tpu.memref_slice %arg5[%dma_start3A_259, %dma_start3A_260] : memref<320x128xf32, #tpu.memory_space<vmem>> -> memref<80x128xf32, #tpu.memory_space<vmem>>
    %dma_start3A_262 = arith.constant 0 : i32
    %dma_start3A_263 = tpu.memref_slice %arg2[%mul3A_253, %dma_start3A_262] : memref<10000x128xf32, #tpu.memory_space<hbm>> -> memref<80x128xf32, #tpu.memory_space<hbm>>
    tpu.enqueue_dma source(%dma_start3A_263 : memref<80x128xf32, #tpu.memory_space<hbm>>) target(%dma_start3A_261 : memref<80x128xf32, #tpu.memory_space<vmem>>) target_semaphore(%arg10 : memref<!tpu.dma_semaphore, #tpu.memory_space<semaphore_mem>>)
    %le3A = arith.constant 0 : i32
    %le3A_264 = arith.cmpi sle, %sub3A, %le3A : i32
    %convert_element_type3A = arith.extui %le3A_264 : i1 to i32
    %cond3A = arith.constant 0 : i32
    %cond3A_265 = arith.cmpi ne, %convert_element_type3A, %cond3A : i32
    scf.if %cond3A_265 {
      %dma_start3A_364 = arith.constant 0 : i32
      %dma_start3A_365 = arith.constant 0 : i32
      %dma_start3A_366 = tpu.memref_slice %arg5[%dma_start3A_364, %dma_start3A_365] : memref<320x128xf32, #tpu.memory_space<vmem>> -> memref<80x128xf32, #tpu.memory_space<vmem>>
      %dma_start3A_367 = arith.constant 0 : i32
      %dma_start3A_368 = tpu.memref_slice %arg6[%dma_start3A_367] : memref<320xi32, #tpu.memory_space<vmem>> -> memref<80xi32, #tpu.memory_space<vmem>>
      %dma_start3A_369 = arith.constant 0 : i32
      %dma_start3A_370 = arith.constant 0 : i32
      %dma_start3A_371 = tpu.memref_slice %arg8[%dma_start3A_369, %dma_start3A_370] : memref<64x128xf32, #tpu.memory_space<vmem_shared>> -> memref<64x128xf32, #tpu.memory_space<vmem_shared>>
      tpu.enqueue_indirect_dma source(%dma_start3A_366 : memref<80x128xf32, #tpu.memory_space<vmem>>) target(%dma_start3A_371 : memref<64x128xf32, #tpu.memory_space<vmem_shared>>) offsets(%dma_start3A_368 : memref<80xi32, #tpu.memory_space<vmem>>) semaphore(%arg12 : memref<!tpu.dma_semaphore, #tpu.memory_space<semaphore_mem>>) {add = true}
    } else {
    }
    %add3A_266 = arith.constant 1 : i32
    %add3A_267 = arith.addi %min3A_195, %add3A_266 : i32
    %mul3A_268 = arith.constant 80 : i32
    %mul3A_269 = arith.muli %add3A_267, %mul3A_268 : i32
    %dma_wait3A_270 = arith.constant 80 : i32
    %dma_wait3A_271 = arith.constant 0 : i32
    %dma_wait3A_272 = tpu.memref_slice %arg5[%dma_wait3A_270, %dma_wait3A_271] : memref<320x128xf32, #tpu.memory_space<vmem>> -> memref<80x128xf32, #tpu.memory_space<vmem>>
    %dma_wait3A_273 = arith.constant 0 : i32
    %dma_wait3A_274 = tpu.memref_slice %arg2[%mul3A_269, %dma_wait3A_273] : memref<10000x128xf32, #tpu.memory_space<hbm>> -> memref<80x128xf32, #tpu.memory_space<hbm>>
    %dma_wait3A_275 = arith.constant 80 : i32
    %dma_wait3A_276 = arith.constant 0 : i32
    %dma_wait3A_277 = tpu.memref_slice %arg5[%dma_wait3A_275, %dma_wait3A_276] : memref<320x128xf32, #tpu.memory_space<vmem>> -> memref<80x128xf32, #tpu.memory_space<vmem>>
    %dma_wait3A_278 = arith.constant 0 : i32
    %dma_wait3A_279 = tpu.memref_slice %arg2[%mul3A_269, %dma_wait3A_278] : memref<10000x128xf32, #tpu.memory_space<hbm>> -> memref<80x128xf32, #tpu.memory_space<hbm>>
    tpu.wait_dma2 semaphore(%arg11 : memref<!tpu.dma_semaphore, #tpu.memory_space<semaphore_mem>>) src(%dma_wait3A_279 : memref<80x128xf32, #tpu.memory_space<hbm>>) dst(%dma_wait3A_277 : memref<80x128xf32, #tpu.memory_space<vmem>>)
    %add3A_280 = arith.constant 1 : i32
    %add3A_281 = arith.addi %min3A_195, %add3A_280 : i32
    %add3A_282 = arith.constant 2 : i32
    %add3A_283 = arith.addi %add3A_281, %add3A_282 : i32
    %mul3A_284 = arith.constant 80 : i32
    %mul3A_285 = arith.muli %add3A_283, %mul3A_284 : i32
    %dma_start3A_286 = arith.constant 240 : i32
    %dma_start3A_287 = arith.constant 0 : i32
    %dma_start3A_288 = tpu.memref_slice %arg5[%dma_start3A_286, %dma_start3A_287] : memref<320x128xf32, #tpu.memory_space<vmem>> -> memref<80x128xf32, #tpu.memory_space<vmem>>
    %dma_start3A_289 = arith.constant 0 : i32
    %dma_start3A_290 = tpu.memref_slice %arg2[%mul3A_285, %dma_start3A_289] : memref<10000x128xf32, #tpu.memory_space<hbm>> -> memref<80x128xf32, #tpu.memory_space<hbm>>
    %dma_start3A_291 = arith.constant 240 : i32
    %dma_start3A_292 = arith.constant 0 : i32
    %dma_start3A_293 = tpu.memref_slice %arg5[%dma_start3A_291, %dma_start3A_292] : memref<320x128xf32, #tpu.memory_space<vmem>> -> memref<80x128xf32, #tpu.memory_space<vmem>>
    %dma_start3A_294 = arith.constant 0 : i32
    %dma_start3A_295 = tpu.memref_slice %arg2[%mul3A_285, %dma_start3A_294] : memref<10000x128xf32, #tpu.memory_space<hbm>> -> memref<80x128xf32, #tpu.memory_space<hbm>>
    tpu.enqueue_dma source(%dma_start3A_295 : memref<80x128xf32, #tpu.memory_space<hbm>>) target(%dma_start3A_293 : memref<80x128xf32, #tpu.memory_space<vmem>>) target_semaphore(%arg11 : memref<!tpu.dma_semaphore, #tpu.memory_space<semaphore_mem>>)
    %le3A_296 = arith.constant 1 : i32
    %le3A_297 = arith.cmpi sle, %sub3A, %le3A_296 : i32
    %convert_element_type3A_298 = arith.extui %le3A_297 : i1 to i32
    %cond3A_299 = arith.constant 0 : i32
    %cond3A_300 = arith.cmpi ne, %convert_element_type3A_298, %cond3A_299 : i32
    scf.if %cond3A_300 {
      %dma_start3A_364 = arith.constant 80 : i32
      %dma_start3A_365 = arith.constant 0 : i32
      %dma_start3A_366 = tpu.memref_slice %arg5[%dma_start3A_364, %dma_start3A_365] : memref<320x128xf32, #tpu.memory_space<vmem>> -> memref<80x128xf32, #tpu.memory_space<vmem>>
      %dma_start3A_367 = arith.constant 80 : i32
      %dma_start3A_368 = tpu.memref_slice %arg6[%dma_start3A_367] : memref<320xi32, #tpu.memory_space<vmem>> -> memref<80xi32, #tpu.memory_space<vmem>>
      %dma_start3A_369 = arith.constant 0 : i32
      %dma_start3A_370 = arith.constant 0 : i32
      %dma_start3A_371 = tpu.memref_slice %arg8[%dma_start3A_369, %dma_start3A_370] : memref<64x128xf32, #tpu.memory_space<vmem_shared>> -> memref<64x128xf32, #tpu.memory_space<vmem_shared>>
      tpu.enqueue_indirect_dma source(%dma_start3A_366 : memref<80x128xf32, #tpu.memory_space<vmem>>) target(%dma_start3A_371 : memref<64x128xf32, #tpu.memory_space<vmem_shared>>) offsets(%dma_start3A_368 : memref<80xi32, #tpu.memory_space<vmem>>) semaphore(%arg12 : memref<!tpu.dma_semaphore, #tpu.memory_space<semaphore_mem>>) {add = true}
    } else {
    }
    %add3A_301 = arith.constant 2 : i32
    %add3A_302 = arith.addi %min3A_195, %add3A_301 : i32
    %mul3A_303 = arith.constant 80 : i32
    %mul3A_304 = arith.muli %add3A_302, %mul3A_303 : i32
    %dma_wait3A_305 = arith.constant 160 : i32
    %dma_wait3A_306 = arith.constant 0 : i32
    %dma_wait3A_307 = tpu.memref_slice %arg5[%dma_wait3A_305, %dma_wait3A_306] : memref<320x128xf32, #tpu.memory_space<vmem>> -> memref<80x128xf32, #tpu.memory_space<vmem>>
    %dma_wait3A_308 = arith.constant 0 : i32
    %dma_wait3A_309 = tpu.memref_slice %arg2[%mul3A_304, %dma_wait3A_308] : memref<10000x128xf32, #tpu.memory_space<hbm>> -> memref<80x128xf32, #tpu.memory_space<hbm>>
    %dma_wait3A_310 = arith.constant 160 : i32
    %dma_wait3A_311 = arith.constant 0 : i32
    %dma_wait3A_312 = tpu.memref_slice %arg5[%dma_wait3A_310, %dma_wait3A_311] : memref<320x128xf32, #tpu.memory_space<vmem>> -> memref<80x128xf32, #tpu.memory_space<vmem>>
    %dma_wait3A_313 = arith.constant 0 : i32
    %dma_wait3A_314 = tpu.memref_slice %arg2[%mul3A_304, %dma_wait3A_313] : memref<10000x128xf32, #tpu.memory_space<hbm>> -> memref<80x128xf32, #tpu.memory_space<hbm>>
    tpu.wait_dma2 semaphore(%arg10 : memref<!tpu.dma_semaphore, #tpu.memory_space<semaphore_mem>>) src(%dma_wait3A_314 : memref<80x128xf32, #tpu.memory_space<hbm>>) dst(%dma_wait3A_312 : memref<80x128xf32, #tpu.memory_space<vmem>>)
    %le3A_315 = arith.constant 2 : i32
    %le3A_316 = arith.cmpi sle, %sub3A, %le3A_315 : i32
    %convert_element_type3A_317 = arith.extui %le3A_316 : i1 to i32
    %cond3A_318 = arith.constant 0 : i32
    %cond3A_319 = arith.cmpi ne, %convert_element_type3A_317, %cond3A_318 : i32
    scf.if %cond3A_319 {
      %dma_start3A_364 = arith.constant 160 : i32
      %dma_start3A_365 = arith.constant 0 : i32
      %dma_start3A_366 = tpu.memref_slice %arg5[%dma_start3A_364, %dma_start3A_365] : memref<320x128xf32, #tpu.memory_space<vmem>> -> memref<80x128xf32, #tpu.memory_space<vmem>>
      %dma_start3A_367 = arith.constant 160 : i32
      %dma_start3A_368 = tpu.memref_slice %arg6[%dma_start3A_367] : memref<320xi32, #tpu.memory_space<vmem>> -> memref<80xi32, #tpu.memory_space<vmem>>
      %dma_start3A_369 = arith.constant 0 : i32
      %dma_start3A_370 = arith.constant 0 : i32
      %dma_start3A_371 = tpu.memref_slice %arg8[%dma_start3A_369, %dma_start3A_370] : memref<64x128xf32, #tpu.memory_space<vmem_shared>> -> memref<64x128xf32, #tpu.memory_space<vmem_shared>>
      tpu.enqueue_indirect_dma source(%dma_start3A_366 : memref<80x128xf32, #tpu.memory_space<vmem>>) target(%dma_start3A_371 : memref<64x128xf32, #tpu.memory_space<vmem_shared>>) offsets(%dma_start3A_368 : memref<80xi32, #tpu.memory_space<vmem>>) semaphore(%arg12 : memref<!tpu.dma_semaphore, #tpu.memory_space<semaphore_mem>>) {add = true}
    } else {
    }
    %add3A_320 = arith.constant 3 : i32
    %add3A_321 = arith.addi %min3A_195, %add3A_320 : i32
    %mul3A_322 = arith.constant 80 : i32
    %mul3A_323 = arith.muli %add3A_321, %mul3A_322 : i32
    %dma_wait3A_324 = arith.constant 240 : i32
    %dma_wait3A_325 = arith.constant 0 : i32
    %dma_wait3A_326 = tpu.memref_slice %arg5[%dma_wait3A_324, %dma_wait3A_325] : memref<320x128xf32, #tpu.memory_space<vmem>> -> memref<80x128xf32, #tpu.memory_space<vmem>>
    %dma_wait3A_327 = arith.constant 0 : i32
    %dma_wait3A_328 = tpu.memref_slice %arg2[%mul3A_323, %dma_wait3A_327] : memref<10000x128xf32, #tpu.memory_space<hbm>> -> memref<80x128xf32, #tpu.memory_space<hbm>>
    %dma_wait3A_329 = arith.constant 240 : i32
    %dma_wait3A_330 = arith.constant 0 : i32
    %dma_wait3A_331 = tpu.memref_slice %arg5[%dma_wait3A_329, %dma_wait3A_330] : memref<320x128xf32, #tpu.memory_space<vmem>> -> memref<80x128xf32, #tpu.memory_space<vmem>>
    %dma_wait3A_332 = arith.constant 0 : i32
    %dma_wait3A_333 = tpu.memref_slice %arg2[%mul3A_323, %dma_wait3A_332] : memref<10000x128xf32, #tpu.memory_space<hbm>> -> memref<80x128xf32, #tpu.memory_space<hbm>>
    tpu.wait_dma2 semaphore(%arg11 : memref<!tpu.dma_semaphore, #tpu.memory_space<semaphore_mem>>) src(%dma_wait3A_333 : memref<80x128xf32, #tpu.memory_space<hbm>>) dst(%dma_wait3A_331 : memref<80x128xf32, #tpu.memory_space<vmem>>)
    %le3A_334 = arith.constant 3 : i32
    %le3A_335 = arith.cmpi sle, %sub3A, %le3A_334 : i32
    %convert_element_type3A_336 = arith.extui %le3A_335 : i1 to i32
    %cond3A_337 = arith.constant 0 : i32
    %cond3A_338 = arith.cmpi ne, %convert_element_type3A_336, %cond3A_337 : i32
    scf.if %cond3A_338 {
      %dma_start3A_364 = arith.constant 240 : i32
      %dma_start3A_365 = arith.constant 0 : i32
      %dma_start3A_366 = tpu.memref_slice %arg5[%dma_start3A_364, %dma_start3A_365] : memref<320x128xf32, #tpu.memory_space<vmem>> -> memref<80x128xf32, #tpu.memory_space<vmem>>
      %dma_start3A_367 = arith.constant 240 : i32
      %dma_start3A_368 = tpu.memref_slice %arg6[%dma_start3A_367] : memref<320xi32, #tpu.memory_space<vmem>> -> memref<80xi32, #tpu.memory_space<vmem>>
      %dma_start3A_369 = arith.constant 0 : i32
      %dma_start3A_370 = arith.constant 0 : i32
      %dma_start3A_371 = tpu.memref_slice %arg8[%dma_start3A_369, %dma_start3A_370] : memref<64x128xf32, #tpu.memory_space<vmem_shared>> -> memref<64x128xf32, #tpu.memory_space<vmem_shared>>
      tpu.enqueue_indirect_dma source(%dma_start3A_366 : memref<80x128xf32, #tpu.memory_space<vmem>>) target(%dma_start3A_371 : memref<64x128xf32, #tpu.memory_space<vmem_shared>>) offsets(%dma_start3A_368 : memref<80xi32, #tpu.memory_space<vmem>>) semaphore(%arg12 : memref<!tpu.dma_semaphore, #tpu.memory_space<semaphore_mem>>) {add = true}
    } else {
    }
    %le3A_339 = arith.constant 0 : i32
    %le3A_340 = arith.cmpi sle, %sub3A, %le3A_339 : i32
    %convert_element_type3A_341 = arith.extui %le3A_340 : i1 to i32
    %cond3A_342 = arith.constant 0 : i32
    %cond3A_343 = arith.cmpi ne, %convert_element_type3A_341, %cond3A_342 : i32
    scf.if %cond3A_343 {
      %dma_wait3A_364 = arith.constant 0 : i32
      %dma_wait3A_365 = arith.constant 0 : i32
      %dma_wait3A_366 = tpu.memref_slice %arg5[%dma_wait3A_364, %dma_wait3A_365] : memref<320x128xf32, #tpu.memory_space<vmem>> -> memref<80x128xf32, #tpu.memory_space<vmem>>
      %dma_wait3A_367 = arith.constant 0 : i32
      %dma_wait3A_368 = tpu.memref_slice %arg6[%dma_wait3A_367] : memref<320xi32, #tpu.memory_space<vmem>> -> memref<80xi32, #tpu.memory_space<vmem>>
      %dma_wait3A_369 = arith.constant 0 : i32
      %dma_wait3A_370 = arith.constant 0 : i32
      %dma_wait3A_371 = tpu.memref_slice %arg8[%dma_wait3A_369, %dma_wait3A_370] : memref<64x128xf32, #tpu.memory_space<vmem_shared>> -> memref<64x128xf32, #tpu.memory_space<vmem_shared>>
      tpu.wait_indirect_dma semaphore(%arg12 : memref<!tpu.dma_semaphore, #tpu.memory_space<semaphore_mem>>) src(%dma_wait3A_366 : memref<80x128xf32, #tpu.memory_space<vmem>>) dst(%dma_wait3A_371 : memref<64x128xf32, #tpu.memory_space<vmem_shared>>)
    } else {
    }
    %le3A_344 = arith.constant 1 : i32
    %le3A_345 = arith.cmpi sle, %sub3A, %le3A_344 : i32
    %convert_element_type3A_346 = arith.extui %le3A_345 : i1 to i32
    %cond3A_347 = arith.constant 0 : i32
    %cond3A_348 = arith.cmpi ne, %convert_element_type3A_346, %cond3A_347 : i32
    scf.if %cond3A_348 {
      %dma_wait3A_364 = arith.constant 80 : i32
      %dma_wait3A_365 = arith.constant 0 : i32
      %dma_wait3A_366 = tpu.memref_slice %arg5[%dma_wait3A_364, %dma_wait3A_365] : memref<320x128xf32, #tpu.memory_space<vmem>> -> memref<80x128xf32, #tpu.memory_space<vmem>>
      %dma_wait3A_367 = arith.constant 80 : i32
      %dma_wait3A_368 = tpu.memref_slice %arg6[%dma_wait3A_367] : memref<320xi32, #tpu.memory_space<vmem>> -> memref<80xi32, #tpu.memory_space<vmem>>
      %dma_wait3A_369 = arith.constant 0 : i32
      %dma_wait3A_370 = arith.constant 0 : i32
      %dma_wait3A_371 = tpu.memref_slice %arg8[%dma_wait3A_369, %dma_wait3A_370] : memref<64x128xf32, #tpu.memory_space<vmem_shared>> -> memref<64x128xf32, #tpu.memory_space<vmem_shared>>
      tpu.wait_indirect_dma semaphore(%arg12 : memref<!tpu.dma_semaphore, #tpu.memory_space<semaphore_mem>>) src(%dma_wait3A_366 : memref<80x128xf32, #tpu.memory_space<vmem>>) dst(%dma_wait3A_371 : memref<64x128xf32, #tpu.memory_space<vmem_shared>>)
    } else {
    }
    %le3A_349 = arith.constant 2 : i32
    %le3A_350 = arith.cmpi sle, %sub3A, %le3A_349 : i32
    %convert_element_type3A_351 = arith.extui %le3A_350 : i1 to i32
    %cond3A_352 = arith.constant 0 : i32
    %cond3A_353 = arith.cmpi ne, %convert_element_type3A_351, %cond3A_352 : i32
    scf.if %cond3A_353 {
      %dma_wait3A_364 = arith.constant 160 : i32
      %dma_wait3A_365 = arith.constant 0 : i32
      %dma_wait3A_366 = tpu.memref_slice %arg5[%dma_wait3A_364, %dma_wait3A_365] : memref<320x128xf32, #tpu.memory_space<vmem>> -> memref<80x128xf32, #tpu.memory_space<vmem>>
      %dma_wait3A_367 = arith.constant 160 : i32
      %dma_wait3A_368 = tpu.memref_slice %arg6[%dma_wait3A_367] : memref<320xi32, #tpu.memory_space<vmem>> -> memref<80xi32, #tpu.memory_space<vmem>>
      %dma_wait3A_369 = arith.constant 0 : i32
      %dma_wait3A_370 = arith.constant 0 : i32
      %dma_wait3A_371 = tpu.memref_slice %arg8[%dma_wait3A_369, %dma_wait3A_370] : memref<64x128xf32, #tpu.memory_space<vmem_shared>> -> memref<64x128xf32, #tpu.memory_space<vmem_shared>>
      tpu.wait_indirect_dma semaphore(%arg12 : memref<!tpu.dma_semaphore, #tpu.memory_space<semaphore_mem>>) src(%dma_wait3A_366 : memref<80x128xf32, #tpu.memory_space<vmem>>) dst(%dma_wait3A_371 : memref<64x128xf32, #tpu.memory_space<vmem_shared>>)
    } else {
    }
    %le3A_354 = arith.constant 3 : i32
    %le3A_355 = arith.cmpi sle, %sub3A, %le3A_354 : i32
    %convert_element_type3A_356 = arith.extui %le3A_355 : i1 to i32
    %cond3A_357 = arith.constant 0 : i32
    %cond3A_358 = arith.cmpi ne, %convert_element_type3A_356, %cond3A_357 : i32
    scf.if %cond3A_358 {
      %dma_wait3A_364 = arith.constant 240 : i32
      %dma_wait3A_365 = arith.constant 0 : i32
      %dma_wait3A_366 = tpu.memref_slice %arg5[%dma_wait3A_364, %dma_wait3A_365] : memref<320x128xf32, #tpu.memory_space<vmem>> -> memref<80x128xf32, #tpu.memory_space<vmem>>
      %dma_wait3A_367 = arith.constant 240 : i32
      %dma_wait3A_368 = tpu.memref_slice %arg6[%dma_wait3A_367] : memref<320xi32, #tpu.memory_space<vmem>> -> memref<80xi32, #tpu.memory_space<vmem>>
      %dma_wait3A_369 = arith.constant 0 : i32
      %dma_wait3A_370 = arith.constant 0 : i32
      %dma_wait3A_371 = tpu.memref_slice %arg8[%dma_wait3A_369, %dma_wait3A_370] : memref<64x128xf32, #tpu.memory_space<vmem_shared>> -> memref<64x128xf32, #tpu.memory_space<vmem_shared>>
      tpu.wait_indirect_dma semaphore(%arg12 : memref<!tpu.dma_semaphore, #tpu.memory_space<semaphore_mem>>) src(%dma_wait3A_366 : memref<80x128xf32, #tpu.memory_space<vmem>>) dst(%dma_wait3A_371 : memref<64x128xf32, #tpu.memory_space<vmem_shared>>)
    } else {
    }
    %barrier3A_359 = arith.constant 0 : index
    tpu.barrier barrier_id(%barrier3A_359)
    %eq3A = arith.constant 0 : i32
    %eq3A_360 = arith.cmpi eq, %arg1, %eq3A : i32
    %convert_element_type3A_361 = arith.extui %eq3A_360 : i1 to i32
    %cond3A_362 = arith.constant 0 : i32
    %cond3A_363 = arith.cmpi ne, %convert_element_type3A_361, %cond3A_362 : i32
    scf.if %cond3A_363 {
      "tpu.region"() ({
        %run_scoped3A = tpu.sem_alloc : memref<!tpu.dma_semaphore, #tpu.memory_space<semaphore_mem>>
        %dma_start3A_364 = arith.constant 0 : i32
        %dma_start3A_365 = arith.constant 0 : i32
        %dma_start3A_366 = tpu.memref_slice %arg4[%arg0, %dma_start3A_364, %dma_start3A_365] : memref<2x64x128xf32, #tpu.memory_space<hbm>> -> memref<1x64x128xf32, #tpu.memory_space<hbm>>
        %dma_start3A_367 = tpu.memref_squeeze %dma_start3A_366 : memref<1x64x128xf32, #tpu.memory_space<hbm>> -> memref<64x128xf32, #tpu.memory_space<hbm>>
        tpu.enqueue_dma source(%arg8 : memref<64x128xf32, #tpu.memory_space<vmem_shared>>) target(%dma_start3A_367 : memref<64x128xf32, #tpu.memory_space<hbm>>) target_semaphore(%run_scoped3A : memref<!tpu.dma_semaphore, #tpu.memory_space<semaphore_mem>>)
        %dma_wait3A_368 = arith.constant 0 : i32
        %dma_wait3A_369 = arith.constant 0 : i32
        %dma_wait3A_370 = tpu.memref_slice %arg4[%arg0, %dma_wait3A_368, %dma_wait3A_369] : memref<2x64x128xf32, #tpu.memory_space<hbm>> -> memref<1x64x128xf32, #tpu.memory_space<hbm>>
        %dma_wait3A_371 = tpu.memref_squeeze %dma_wait3A_370 : memref<1x64x128xf32, #tpu.memory_space<hbm>> -> memref<64x128xf32, #tpu.memory_space<hbm>>
        tpu.wait_dma2 semaphore(%run_scoped3A : memref<!tpu.dma_semaphore, #tpu.memory_space<semaphore_mem>>) src(%arg8 : memref<64x128xf32, #tpu.memory_space<vmem_shared>>) dst(%dma_wait3A_371 : memref<64x128xf32, #tpu.memory_space<hbm>>)
        tpu.yield
      }) : () -> ()
    } else {
    }
    return
  }
}

module attributes {stable_mosaic.version = 14 : i64} {
  func.func @_mlp_body(%arg0: memref<2x64x128xf32, #tpu.memory_space<vmem>>, %arg1: memref<64x1xf32, #tpu.memory_space<vmem>>, %arg2: memref<64x16xf32, #tpu.memory_space<vmem>>, %arg3: memref<16x64xf32, #tpu.memory_space<vmem>>, %arg4: memref<128x64xf32, #tpu.memory_space<vmem>>, %arg5: memref<1x64xf32, #tpu.memory_space<vmem>>, %arg6: memref<64x128xf32, #tpu.memory_space<vmem>>, %arg7: memref<1x128xf32, #tpu.memory_space<vmem>>, %arg8: memref<64x128xf32, #tpu.memory_space<vmem>>) attributes {dimension_semantics = [], scalar_prefetch = 0 : i64, scratch_operands = 0 : i64, tpu.core_type = #tpu.core_type<tc>} {
    %get3A = arith.constant 0 : index
    %get3A_0 = arith.constant 0 : index
    %get3A_1 = arith.constant 0 : index
    %get3A_2 = vector.load %arg0[%get3A, %get3A_0, %get3A_1] : memref<2x64x128xf32, #tpu.memory_space<vmem>>, vector<1x64x128xf32>
    %get3A_3 = vector.shape_cast %get3A_2 : vector<1x64x128xf32> to vector<64x128xf32>
    %get3A_4 = arith.constant 1 : index
    %get3A_5 = arith.constant 0 : index
    %get3A_6 = arith.constant 0 : index
    %get3A_7 = vector.load %arg0[%get3A_4, %get3A_5, %get3A_6] : memref<2x64x128xf32, #tpu.memory_space<vmem>>, vector<1x64x128xf32>
    %get3A_8 = vector.shape_cast %get3A_7 : vector<1x64x128xf32> to vector<64x128xf32>
    %add3A = arith.addf %get3A_3, %get3A_8 : vector<64x128xf32>
    %get3A_9 = arith.constant 0 : index
    %get3A_10 = arith.constant 0 : index
    %get3A_11 = vector.load %arg1[%get3A_9, %get3A_10] : memref<64x1xf32, #tpu.memory_space<vmem>>, vector<64x1xf32>
    %mul3A = vector.broadcast %get3A_11 : vector<64x1xf32> to vector<64x128xf32>
    %mul3A_12 = arith.mulf %add3A, %mul3A : vector<64x128xf32>
    %get3A_13 = arith.constant 0 : index
    %get3A_14 = arith.constant 0 : index
    %get3A_15 = vector.load %arg2[%get3A_13, %get3A_14] : memref<64x16xf32, #tpu.memory_space<vmem>>, vector<64x16xf32>
    %get3A_16 = arith.constant 0 : index
    %get3A_17 = arith.constant 0 : index
    %get3A_18 = vector.load %arg3[%get3A_16, %get3A_17] : memref<16x64xf32, #tpu.memory_space<vmem>>, vector<16x64xf32>
    %dot_general3A = arith.constant dense<0.000000e+00> : vector<64x64xf32>
    %dot_general3A_19 = tpu.matmul %get3A_15, %get3A_18, %dot_general3A {dimension_numbers = #tpu.dot_dimension_numbers<[1], [0], [0], [1], [0, 0, 1, 1], [], []>, transpose_lhs_hint = false} : vector<64x16xf32>, vector<16x64xf32>, vector<64x64xf32> -> vector<64x64xf32>
    %get3A_20 = arith.constant 0 : index
    %get3A_21 = arith.constant 0 : index
    %get3A_22 = vector.load %arg4[%get3A_20, %get3A_21] : memref<128x64xf32, #tpu.memory_space<vmem>>, vector<128x64xf32>
    %dot_general3A_23 = arith.constant dense<0.000000e+00> : vector<64x64xf32>
    %dot_general3A_24 = tpu.matmul %mul3A_12, %get3A_22, %dot_general3A_23 {dimension_numbers = #tpu.dot_dimension_numbers<[1], [0], [0], [1], [0, 0, 1, 1], [], []>, transpose_lhs_hint = false} : vector<64x128xf32>, vector<128x64xf32>, vector<64x64xf32> -> vector<64x64xf32>
    %add3A_25 = arith.addf %dot_general3A_19, %dot_general3A_24 : vector<64x64xf32>
    %get3A_26 = arith.constant 0 : index
    %get3A_27 = arith.constant 0 : index
    %get3A_28 = vector.load %arg5[%get3A_26, %get3A_27] : memref<1x64xf32, #tpu.memory_space<vmem>>, vector<1x64xf32>
    %add3A_29 = vector.broadcast %get3A_28 : vector<1x64xf32> to vector<64x64xf32>
    %add3A_30 = arith.addf %add3A_25, %add3A_29 : vector<64x64xf32>
    %gt3A = arith.constant 0.000000e+00 : f32
    %gt3A_31 = vector.broadcast %gt3A : f32 to vector<64x64xf32>
    %gt3A_32 = arith.cmpf ogt, %add3A_30, %gt3A_31 : vector<64x64xf32>
    %min3A = arith.constant 0.000000e+00 : f32
    %min3A_33 = vector.broadcast %min3A : f32 to vector<64x64xf32>
    %min3A_34 = arith.minimumf %add3A_30, %min3A_33 : vector<64x64xf32>
    %exp3A = math.exp %min3A_34 : vector<64x64xf32>
    %sub3A = arith.constant 1.000000e+00 : f32
    %sub3A_35 = vector.broadcast %sub3A : f32 to vector<64x64xf32>
    %sub3A_36 = arith.subf %exp3A, %sub3A_35 : vector<64x64xf32>
    %select_n3A = arith.select %gt3A_32, %add3A_30, %sub3A_36 : vector<64x64xi1>, vector<64x64xf32>
    %get3A_37 = arith.constant 0 : index
    %get3A_38 = arith.constant 0 : index
    %get3A_39 = vector.load %arg6[%get3A_37, %get3A_38] : memref<64x128xf32, #tpu.memory_space<vmem>>, vector<64x128xf32>
    %dot_general3A_40 = arith.constant dense<0.000000e+00> : vector<64x128xf32>
    %dot_general3A_41 = tpu.matmul %select_n3A, %get3A_39, %dot_general3A_40 {dimension_numbers = #tpu.dot_dimension_numbers<[1], [0], [0], [1], [0, 0, 1, 1], [], []>, transpose_lhs_hint = false} : vector<64x64xf32>, vector<64x128xf32>, vector<64x128xf32> -> vector<64x128xf32>
    %get3A_42 = arith.constant 0 : index
    %get3A_43 = arith.constant 0 : index
    %get3A_44 = vector.load %arg7[%get3A_42, %get3A_43] : memref<1x128xf32, #tpu.memory_space<vmem>>, vector<1x128xf32>
    %add3A_45 = vector.broadcast %get3A_44 : vector<1x128xf32> to vector<64x128xf32>
    %add3A_46 = arith.addf %dot_general3A_41, %add3A_45 : vector<64x128xf32>
    %swap3A = arith.constant 0 : index
    %swap3A_47 = arith.constant 0 : index
    %swap3A_48 = vector.load %arg8[%swap3A, %swap3A_47] : memref<64x128xf32, #tpu.memory_space<vmem>>, vector<64x128xf32>
    tpu.vector_store %arg8[%swap3A, %swap3A_47], %add3A_46 {strides = array<i32>} : memref<64x128xf32, #tpu.memory_space<vmem>>, vector<64x128xf32>,
    return
  }
}

module attributes {stable_mosaic.version = 14 : i64} {
  func.func @_count_body(%arg0: memref<80x128xi32, #tpu.memory_space<vmem>>, %arg1: memref<64x1xf32, #tpu.memory_space<vmem>>) attributes {dimension_semantics = [], scalar_prefetch = 0 : i64, scratch_operands = 0 : i64, tpu.core_type = #tpu.core_type<tc>} {
    %get3A = arith.constant 0 : index
    %get3A_0 = arith.constant 0 : index
    %get3A_1 = vector.load %arg0[%get3A, %get3A_0] : memref<80x128xi32, #tpu.memory_space<vmem>>, vector<80x128xi32>
    %eq3A = arith.constant 0 : i32
    %eq3A_2 = vector.broadcast %eq3A : i32 to vector<80x128xi32>
    %eq3A_3 = arith.cmpi eq, %get3A_1, %eq3A_2 : vector<80x128xi32>
    %convert_element_type3A = arith.extui %eq3A_3 : vector<80x128xi1> to vector<80x128xi32>
    %convert_element_type3A_4 = arith.sitofp %convert_element_type3A : vector<80x128xi32> to vector<80x128xf32>
    %reduce_sum3A = arith.constant dense<0.000000e+00> : vector<128xf32>
    %reduce_sum3A_5 = vector.multi_reduction <add>, %convert_element_type3A_4, %reduce_sum3A [0] : vector<80x128xf32> to vector<128xf32>
    %broadcast_in_dim3A = vector.shape_cast %reduce_sum3A_5 : vector<128xf32> to vector<1x128xf32>
    %eq3A_6 = arith.constant 1 : i32
    %eq3A_7 = vector.broadcast %eq3A_6 : i32 to vector<80x128xi32>
    %eq3A_8 = arith.cmpi eq, %get3A_1, %eq3A_7 : vector<80x128xi32>
    %convert_element_type3A_9 = arith.extui %eq3A_8 : vector<80x128xi1> to vector<80x128xi32>
    %convert_element_type3A_10 = arith.sitofp %convert_element_type3A_9 : vector<80x128xi32> to vector<80x128xf32>
    %reduce_sum3A_11 = arith.constant dense<0.000000e+00> : vector<128xf32>
    %reduce_sum3A_12 = vector.multi_reduction <add>, %convert_element_type3A_10, %reduce_sum3A_11 [0] : vector<80x128xf32> to vector<128xf32>
    %broadcast_in_dim3A_13 = vector.shape_cast %reduce_sum3A_12 : vector<128xf32> to vector<1x128xf32>
    %eq3A_14 = arith.constant 2 : i32
    %eq3A_15 = vector.broadcast %eq3A_14 : i32 to vector<80x128xi32>
    %eq3A_16 = arith.cmpi eq, %get3A_1, %eq3A_15 : vector<80x128xi32>
    %convert_element_type3A_17 = arith.extui %eq3A_16 : vector<80x128xi1> to vector<80x128xi32>
    %convert_element_type3A_18 = arith.sitofp %convert_element_type3A_17 : vector<80x128xi32> to vector<80x128xf32>
    %reduce_sum3A_19 = arith.constant dense<0.000000e+00> : vector<128xf32>
    %reduce_sum3A_20 = vector.multi_reduction <add>, %convert_element_type3A_18, %reduce_sum3A_19 [0] : vector<80x128xf32> to vector<128xf32>
    %broadcast_in_dim3A_21 = vector.shape_cast %reduce_sum3A_20 : vector<128xf32> to vector<1x128xf32>
    %eq3A_22 = arith.constant 3 : i32
    %eq3A_23 = vector.broadcast %eq3A_22 : i32 to vector<80x128xi32>
    %eq3A_24 = arith.cmpi eq, %get3A_1, %eq3A_23 : vector<80x128xi32>
    %convert_element_type3A_25 = arith.extui %eq3A_24 : vector<80x128xi1> to vector<80x128xi32>
    %convert_element_type3A_26 = arith.sitofp %convert_element_type3A_25 : vector<80x128xi32> to vector<80x128xf32>
    %reduce_sum3A_27 = arith.constant dense<0.000000e+00> : vector<128xf32>
    %reduce_sum3A_28 = vector.multi_reduction <add>, %convert_element_type3A_26, %reduce_sum3A_27 [0] : vector<80x128xf32> to vector<128xf32>
    %broadcast_in_dim3A_29 = vector.shape_cast %reduce_sum3A_28 : vector<128xf32> to vector<1x128xf32>
    %eq3A_30 = arith.constant 4 : i32
    %eq3A_31 = vector.broadcast %eq3A_30 : i32 to vector<80x128xi32>
    %eq3A_32 = arith.cmpi eq, %get3A_1, %eq3A_31 : vector<80x128xi32>
    %convert_element_type3A_33 = arith.extui %eq3A_32 : vector<80x128xi1> to vector<80x128xi32>
    %convert_element_type3A_34 = arith.sitofp %convert_element_type3A_33 : vector<80x128xi32> to vector<80x128xf32>
    %reduce_sum3A_35 = arith.constant dense<0.000000e+00> : vector<128xf32>
    %reduce_sum3A_36 = vector.multi_reduction <add>, %convert_element_type3A_34, %reduce_sum3A_35 [0] : vector<80x128xf32> to vector<128xf32>
    %broadcast_in_dim3A_37 = vector.shape_cast %reduce_sum3A_36 : vector<128xf32> to vector<1x128xf32>
    %eq3A_38 = arith.constant 5 : i32
    %eq3A_39 = vector.broadcast %eq3A_38 : i32 to vector<80x128xi32>
    %eq3A_40 = arith.cmpi eq, %get3A_1, %eq3A_39 : vector<80x128xi32>
    %convert_element_type3A_41 = arith.extui %eq3A_40 : vector<80x128xi1> to vector<80x128xi32>
    %convert_element_type3A_42 = arith.sitofp %convert_element_type3A_41 : vector<80x128xi32> to vector<80x128xf32>
    %reduce_sum3A_43 = arith.constant dense<0.000000e+00> : vector<128xf32>
    %reduce_sum3A_44 = vector.multi_reduction <add>, %convert_element_type3A_42, %reduce_sum3A_43 [0] : vector<80x128xf32> to vector<128xf32>
    %broadcast_in_dim3A_45 = vector.shape_cast %reduce_sum3A_44 : vector<128xf32> to vector<1x128xf32>
    %eq3A_46 = arith.constant 6 : i32
    %eq3A_47 = vector.broadcast %eq3A_46 : i32 to vector<80x128xi32>
    %eq3A_48 = arith.cmpi eq, %get3A_1, %eq3A_47 : vector<80x128xi32>
    %convert_element_type3A_49 = arith.extui %eq3A_48 : vector<80x128xi1> to vector<80x128xi32>
    %convert_element_type3A_50 = arith.sitofp %convert_element_type3A_49 : vector<80x128xi32> to vector<80x128xf32>
    %reduce_sum3A_51 = arith.constant dense<0.000000e+00> : vector<128xf32>
    %reduce_sum3A_52 = vector.multi_reduction <add>, %convert_element_type3A_50, %reduce_sum3A_51 [0] : vector<80x128xf32> to vector<128xf32>
    %broadcast_in_dim3A_53 = vector.shape_cast %reduce_sum3A_52 : vector<128xf32> to vector<1x128xf32>
    %eq3A_54 = arith.constant 7 : i32
    %eq3A_55 = vector.broadcast %eq3A_54 : i32 to vector<80x128xi32>
    %eq3A_56 = arith.cmpi eq, %get3A_1, %eq3A_55 : vector<80x128xi32>
    %convert_element_type3A_57 = arith.extui %eq3A_56 : vector<80x128xi1> to vector<80x128xi32>
    %convert_element_type3A_58 = arith.sitofp %convert_element_type3A_57 : vector<80x128xi32> to vector<80x128xf32>
    %reduce_sum3A_59 = arith.constant dense<0.000000e+00> : vector<128xf32>
    %reduce_sum3A_60 = vector.multi_reduction <add>, %convert_element_type3A_58, %reduce_sum3A_59 [0] : vector<80x128xf32> to vector<128xf32>
    %broadcast_in_dim3A_61 = vector.shape_cast %reduce_sum3A_60 : vector<128xf32> to vector<1x128xf32>
    %eq3A_62 = arith.constant 8 : i32
    %eq3A_63 = vector.broadcast %eq3A_62 : i32 to vector<80x128xi32>
    %eq3A_64 = arith.cmpi eq, %get3A_1, %eq3A_63 : vector<80x128xi32>
    %convert_element_type3A_65 = arith.extui %eq3A_64 : vector<80x128xi1> to vector<80x128xi32>
    %convert_element_type3A_66 = arith.sitofp %convert_element_type3A_65 : vector<80x128xi32> to vector<80x128xf32>
    %reduce_sum3A_67 = arith.constant dense<0.000000e+00> : vector<128xf32>
    %reduce_sum3A_68 = vector.multi_reduction <add>, %convert_element_type3A_66, %reduce_sum3A_67 [0] : vector<80x128xf32> to vector<128xf32>
    %broadcast_in_dim3A_69 = vector.shape_cast %reduce_sum3A_68 : vector<128xf32> to vector<1x128xf32>
    %eq3A_70 = arith.constant 9 : i32
    %eq3A_71 = vector.broadcast %eq3A_70 : i32 to vector<80x128xi32>
    %eq3A_72 = arith.cmpi eq, %get3A_1, %eq3A_71 : vector<80x128xi32>
    %convert_element_type3A_73 = arith.extui %eq3A_72 : vector<80x128xi1> to vector<80x128xi32>
    %convert_element_type3A_74 = arith.sitofp %convert_element_type3A_73 : vector<80x128xi32> to vector<80x128xf32>
    %reduce_sum3A_75 = arith.constant dense<0.000000e+00> : vector<128xf32>
    %reduce_sum3A_76 = vector.multi_reduction <add>, %convert_element_type3A_74, %reduce_sum3A_75 [0] : vector<80x128xf32> to vector<128xf32>
    %broadcast_in_dim3A_77 = vector.shape_cast %reduce_sum3A_76 : vector<128xf32> to vector<1x128xf32>
    %eq3A_78 = arith.constant 10 : i32
    %eq3A_79 = vector.broadcast %eq3A_78 : i32 to vector<80x128xi32>
    %eq3A_80 = arith.cmpi eq, %get3A_1, %eq3A_79 : vector<80x128xi32>
    %convert_element_type3A_81 = arith.extui %eq3A_80 : vector<80x128xi1> to vector<80x128xi32>
    %convert_element_type3A_82 = arith.sitofp %convert_element_type3A_81 : vector<80x128xi32> to vector<80x128xf32>
    %reduce_sum3A_83 = arith.constant dense<0.000000e+00> : vector<128xf32>
    %reduce_sum3A_84 = vector.multi_reduction <add>, %convert_element_type3A_82, %reduce_sum3A_83 [0] : vector<80x128xf32> to vector<128xf32>
    %broadcast_in_dim3A_85 = vector.shape_cast %reduce_sum3A_84 : vector<128xf32> to vector<1x128xf32>
    %eq3A_86 = arith.constant 11 : i32
    %eq3A_87 = vector.broadcast %eq3A_86 : i32 to vector<80x128xi32>
    %eq3A_88 = arith.cmpi eq, %get3A_1, %eq3A_87 : vector<80x128xi32>
    %convert_element_type3A_89 = arith.extui %eq3A_88 : vector<80x128xi1> to vector<80x128xi32>
    %convert_element_type3A_90 = arith.sitofp %convert_element_type3A_89 : vector<80x128xi32> to vector<80x128xf32>
    %reduce_sum3A_91 = arith.constant dense<0.000000e+00> : vector<128xf32>
    %reduce_sum3A_92 = vector.multi_reduction <add>, %convert_element_type3A_90, %reduce_sum3A_91 [0] : vector<80x128xf32> to vector<128xf32>
    %broadcast_in_dim3A_93 = vector.shape_cast %reduce_sum3A_92 : vector<128xf32> to vector<1x128xf32>
    %eq3A_94 = arith.constant 12 : i32
    %eq3A_95 = vector.broadcast %eq3A_94 : i32 to vector<80x128xi32>
    %eq3A_96 = arith.cmpi eq, %get3A_1, %eq3A_95 : vector<80x128xi32>
    %convert_element_type3A_97 = arith.extui %eq3A_96 : vector<80x128xi1> to vector<80x128xi32>
    %convert_element_type3A_98 = arith.sitofp %convert_element_type3A_97 : vector<80x128xi32> to vector<80x128xf32>
    %reduce_sum3A_99 = arith.constant dense<0.000000e+00> : vector<128xf32>
    %reduce_sum3A_100 = vector.multi_reduction <add>, %convert_element_type3A_98, %reduce_sum3A_99 [0] : vector<80x128xf32> to vector<128xf32>
    %broadcast_in_dim3A_101 = vector.shape_cast %reduce_sum3A_100 : vector<128xf32> to vector<1x128xf32>
    %eq3A_102 = arith.constant 13 : i32
    %eq3A_103 = vector.broadcast %eq3A_102 : i32 to vector<80x128xi32>
    %eq3A_104 = arith.cmpi eq, %get3A_1, %eq3A_103 : vector<80x128xi32>
    %convert_element_type3A_105 = arith.extui %eq3A_104 : vector<80x128xi1> to vector<80x128xi32>
    %convert_element_type3A_106 = arith.sitofp %convert_element_type3A_105 : vector<80x128xi32> to vector<80x128xf32>
    %reduce_sum3A_107 = arith.constant dense<0.000000e+00> : vector<128xf32>
    %reduce_sum3A_108 = vector.multi_reduction <add>, %convert_element_type3A_106, %reduce_sum3A_107 [0] : vector<80x128xf32> to vector<128xf32>
    %broadcast_in_dim3A_109 = vector.shape_cast %reduce_sum3A_108 : vector<128xf32> to vector<1x128xf32>
    %eq3A_110 = arith.constant 14 : i32
    %eq3A_111 = vector.broadcast %eq3A_110 : i32 to vector<80x128xi32>
    %eq3A_112 = arith.cmpi eq, %get3A_1, %eq3A_111 : vector<80x128xi32>
    %convert_element_type3A_113 = arith.extui %eq3A_112 : vector<80x128xi1> to vector<80x128xi32>
    %convert_element_type3A_114 = arith.sitofp %convert_element_type3A_113 : vector<80x128xi32> to vector<80x128xf32>
    %reduce_sum3A_115 = arith.constant dense<0.000000e+00> : vector<128xf32>
    %reduce_sum3A_116 = vector.multi_reduction <add>, %convert_element_type3A_114, %reduce_sum3A_115 [0] : vector<80x128xf32> to vector<128xf32>
    %broadcast_in_dim3A_117 = vector.shape_cast %reduce_sum3A_116 : vector<128xf32> to vector<1x128xf32>
    %eq3A_118 = arith.constant 15 : i32
    %eq3A_119 = vector.broadcast %eq3A_118 : i32 to vector<80x128xi32>
    %eq3A_120 = arith.cmpi eq, %get3A_1, %eq3A_119 : vector<80x128xi32>
    %convert_element_type3A_121 = arith.extui %eq3A_120 : vector<80x128xi1> to vector<80x128xi32>
    %convert_element_type3A_122 = arith.sitofp %convert_element_type3A_121 : vector<80x128xi32> to vector<80x128xf32>
    %reduce_sum3A_123 = arith.constant dense<0.000000e+00> : vector<128xf32>
    %reduce_sum3A_124 = vector.multi_reduction <add>, %convert_element_type3A_122, %reduce_sum3A_123 [0] : vector<80x128xf32> to vector<128xf32>
    %broadcast_in_dim3A_125 = vector.shape_cast %reduce_sum3A_124 : vector<128xf32> to vector<1x128xf32>
    %eq3A_126 = arith.constant 16 : i32
    %eq3A_127 = vector.broadcast %eq3A_126 : i32 to vector<80x128xi32>
    %eq3A_128 = arith.cmpi eq, %get3A_1, %eq3A_127 : vector<80x128xi32>
    %convert_element_type3A_129 = arith.extui %eq3A_128 : vector<80x128xi1> to vector<80x128xi32>
    %convert_element_type3A_130 = arith.sitofp %convert_element_type3A_129 : vector<80x128xi32> to vector<80x128xf32>
    %reduce_sum3A_131 = arith.constant dense<0.000000e+00> : vector<128xf32>
    %reduce_sum3A_132 = vector.multi_reduction <add>, %convert_element_type3A_130, %reduce_sum3A_131 [0] : vector<80x128xf32> to vector<128xf32>
    %broadcast_in_dim3A_133 = vector.shape_cast %reduce_sum3A_132 : vector<128xf32> to vector<1x128xf32>
    %eq3A_134 = arith.constant 17 : i32
    %eq3A_135 = vector.broadcast %eq3A_134 : i32 to vector<80x128xi32>
    %eq3A_136 = arith.cmpi eq, %get3A_1, %eq3A_135 : vector<80x128xi32>
    %convert_element_type3A_137 = arith.extui %eq3A_136 : vector<80x128xi1> to vector<80x128xi32>
    %convert_element_type3A_138 = arith.sitofp %convert_element_type3A_137 : vector<80x128xi32> to vector<80x128xf32>
    %reduce_sum3A_139 = arith.constant dense<0.000000e+00> : vector<128xf32>
    %reduce_sum3A_140 = vector.multi_reduction <add>, %convert_element_type3A_138, %reduce_sum3A_139 [0] : vector<80x128xf32> to vector<128xf32>
    %broadcast_in_dim3A_141 = vector.shape_cast %reduce_sum3A_140 : vector<128xf32> to vector<1x128xf32>
    %eq3A_142 = arith.constant 18 : i32
    %eq3A_143 = vector.broadcast %eq3A_142 : i32 to vector<80x128xi32>
    %eq3A_144 = arith.cmpi eq, %get3A_1, %eq3A_143 : vector<80x128xi32>
    %convert_element_type3A_145 = arith.extui %eq3A_144 : vector<80x128xi1> to vector<80x128xi32>
    %convert_element_type3A_146 = arith.sitofp %convert_element_type3A_145 : vector<80x128xi32> to vector<80x128xf32>
    %reduce_sum3A_147 = arith.constant dense<0.000000e+00> : vector<128xf32>
    %reduce_sum3A_148 = vector.multi_reduction <add>, %convert_element_type3A_146, %reduce_sum3A_147 [0] : vector<80x128xf32> to vector<128xf32>
    %broadcast_in_dim3A_149 = vector.shape_cast %reduce_sum3A_148 : vector<128xf32> to vector<1x128xf32>
    %eq3A_150 = arith.constant 19 : i32
    %eq3A_151 = vector.broadcast %eq3A_150 : i32 to vector<80x128xi32>
    %eq3A_152 = arith.cmpi eq, %get3A_1, %eq3A_151 : vector<80x128xi32>
    %convert_element_type3A_153 = arith.extui %eq3A_152 : vector<80x128xi1> to vector<80x128xi32>
    %convert_element_type3A_154 = arith.sitofp %convert_element_type3A_153 : vector<80x128xi32> to vector<80x128xf32>
    %reduce_sum3A_155 = arith.constant dense<0.000000e+00> : vector<128xf32>
    %reduce_sum3A_156 = vector.multi_reduction <add>, %convert_element_type3A_154, %reduce_sum3A_155 [0] : vector<80x128xf32> to vector<128xf32>
    %broadcast_in_dim3A_157 = vector.shape_cast %reduce_sum3A_156 : vector<128xf32> to vector<1x128xf32>
    %eq3A_158 = arith.constant 20 : i32
    %eq3A_159 = vector.broadcast %eq3A_158 : i32 to vector<80x128xi32>
    %eq3A_160 = arith.cmpi eq, %get3A_1, %eq3A_159 : vector<80x128xi32>
    %convert_element_type3A_161 = arith.extui %eq3A_160 : vector<80x128xi1> to vector<80x128xi32>
    %convert_element_type3A_162 = arith.sitofp %convert_element_type3A_161 : vector<80x128xi32> to vector<80x128xf32>
    %reduce_sum3A_163 = arith.constant dense<0.000000e+00> : vector<128xf32>
    %reduce_sum3A_164 = vector.multi_reduction <add>, %convert_element_type3A_162, %reduce_sum3A_163 [0] : vector<80x128xf32> to vector<128xf32>
    %broadcast_in_dim3A_165 = vector.shape_cast %reduce_sum3A_164 : vector<128xf32> to vector<1x128xf32>
    %eq3A_166 = arith.constant 21 : i32
    %eq3A_167 = vector.broadcast %eq3A_166 : i32 to vector<80x128xi32>
    %eq3A_168 = arith.cmpi eq, %get3A_1, %eq3A_167 : vector<80x128xi32>
    %convert_element_type3A_169 = arith.extui %eq3A_168 : vector<80x128xi1> to vector<80x128xi32>
    %convert_element_type3A_170 = arith.sitofp %convert_element_type3A_169 : vector<80x128xi32> to vector<80x128xf32>
    %reduce_sum3A_171 = arith.constant dense<0.000000e+00> : vector<128xf32>
    %reduce_sum3A_172 = vector.multi_reduction <add>, %convert_element_type3A_170, %reduce_sum3A_171 [0] : vector<80x128xf32> to vector<128xf32>
    %broadcast_in_dim3A_173 = vector.shape_cast %reduce_sum3A_172 : vector<128xf32> to vector<1x128xf32>
    %eq3A_174 = arith.constant 22 : i32
    %eq3A_175 = vector.broadcast %eq3A_174 : i32 to vector<80x128xi32>
    %eq3A_176 = arith.cmpi eq, %get3A_1, %eq3A_175 : vector<80x128xi32>
    %convert_element_type3A_177 = arith.extui %eq3A_176 : vector<80x128xi1> to vector<80x128xi32>
    %convert_element_type3A_178 = arith.sitofp %convert_element_type3A_177 : vector<80x128xi32> to vector<80x128xf32>
    %reduce_sum3A_179 = arith.constant dense<0.000000e+00> : vector<128xf32>
    %reduce_sum3A_180 = vector.multi_reduction <add>, %convert_element_type3A_178, %reduce_sum3A_179 [0] : vector<80x128xf32> to vector<128xf32>
    %broadcast_in_dim3A_181 = vector.shape_cast %reduce_sum3A_180 : vector<128xf32> to vector<1x128xf32>
    %eq3A_182 = arith.constant 23 : i32
    %eq3A_183 = vector.broadcast %eq3A_182 : i32 to vector<80x128xi32>
    %eq3A_184 = arith.cmpi eq, %get3A_1, %eq3A_183 : vector<80x128xi32>
    %convert_element_type3A_185 = arith.extui %eq3A_184 : vector<80x128xi1> to vector<80x128xi32>
    %convert_element_type3A_186 = arith.sitofp %convert_element_type3A_185 : vector<80x128xi32> to vector<80x128xf32>
    %reduce_sum3A_187 = arith.constant dense<0.000000e+00> : vector<128xf32>
    %reduce_sum3A_188 = vector.multi_reduction <add>, %convert_element_type3A_186, %reduce_sum3A_187 [0] : vector<80x128xf32> to vector<128xf32>
    %broadcast_in_dim3A_189 = vector.shape_cast %reduce_sum3A_188 : vector<128xf32> to vector<1x128xf32>
    %eq3A_190 = arith.constant 24 : i32
    %eq3A_191 = vector.broadcast %eq3A_190 : i32 to vector<80x128xi32>
    %eq3A_192 = arith.cmpi eq, %get3A_1, %eq3A_191 : vector<80x128xi32>
    %convert_element_type3A_193 = arith.extui %eq3A_192 : vector<80x128xi1> to vector<80x128xi32>
    %convert_element_type3A_194 = arith.sitofp %convert_element_type3A_193 : vector<80x128xi32> to vector<80x128xf32>
    %reduce_sum3A_195 = arith.constant dense<0.000000e+00> : vector<128xf32>
    %reduce_sum3A_196 = vector.multi_reduction <add>, %convert_element_type3A_194, %reduce_sum3A_195 [0] : vector<80x128xf32> to vector<128xf32>
    %broadcast_in_dim3A_197 = vector.shape_cast %reduce_sum3A_196 : vector<128xf32> to vector<1x128xf32>
    %eq3A_198 = arith.constant 25 : i32
    %eq3A_199 = vector.broadcast %eq3A_198 : i32 to vector<80x128xi32>
    %eq3A_200 = arith.cmpi eq, %get3A_1, %eq3A_199 : vector<80x128xi32>
    %convert_element_type3A_201 = arith.extui %eq3A_200 : vector<80x128xi1> to vector<80x128xi32>
    %convert_element_type3A_202 = arith.sitofp %convert_element_type3A_201 : vector<80x128xi32> to vector<80x128xf32>
    %reduce_sum3A_203 = arith.constant dense<0.000000e+00> : vector<128xf32>
    %reduce_sum3A_204 = vector.multi_reduction <add>, %convert_element_type3A_202, %reduce_sum3A_203 [0] : vector<80x128xf32> to vector<128xf32>
    %broadcast_in_dim3A_205 = vector.shape_cast %reduce_sum3A_204 : vector<128xf32> to vector<1x128xf32>
    %eq3A_206 = arith.constant 26 : i32
    %eq3A_207 = vector.broadcast %eq3A_206 : i32 to vector<80x128xi32>
    %eq3A_208 = arith.cmpi eq, %get3A_1, %eq3A_207 : vector<80x128xi32>
    %convert_element_type3A_209 = arith.extui %eq3A_208 : vector<80x128xi1> to vector<80x128xi32>
    %convert_element_type3A_210 = arith.sitofp %convert_element_type3A_209 : vector<80x128xi32> to vector<80x128xf32>
    %reduce_sum3A_211 = arith.constant dense<0.000000e+00> : vector<128xf32>
    %reduce_sum3A_212 = vector.multi_reduction <add>, %convert_element_type3A_210, %reduce_sum3A_211 [0] : vector<80x128xf32> to vector<128xf32>
    %broadcast_in_dim3A_213 = vector.shape_cast %reduce_sum3A_212 : vector<128xf32> to vector<1x128xf32>
    %eq3A_214 = arith.constant 27 : i32
    %eq3A_215 = vector.broadcast %eq3A_214 : i32 to vector<80x128xi32>
    %eq3A_216 = arith.cmpi eq, %get3A_1, %eq3A_215 : vector<80x128xi32>
    %convert_element_type3A_217 = arith.extui %eq3A_216 : vector<80x128xi1> to vector<80x128xi32>
    %convert_element_type3A_218 = arith.sitofp %convert_element_type3A_217 : vector<80x128xi32> to vector<80x128xf32>
    %reduce_sum3A_219 = arith.constant dense<0.000000e+00> : vector<128xf32>
    %reduce_sum3A_220 = vector.multi_reduction <add>, %convert_element_type3A_218, %reduce_sum3A_219 [0] : vector<80x128xf32> to vector<128xf32>
    %broadcast_in_dim3A_221 = vector.shape_cast %reduce_sum3A_220 : vector<128xf32> to vector<1x128xf32>
    %eq3A_222 = arith.constant 28 : i32
    %eq3A_223 = vector.broadcast %eq3A_222 : i32 to vector<80x128xi32>
    %eq3A_224 = arith.cmpi eq, %get3A_1, %eq3A_223 : vector<80x128xi32>
    %convert_element_type3A_225 = arith.extui %eq3A_224 : vector<80x128xi1> to vector<80x128xi32>
    %convert_element_type3A_226 = arith.sitofp %convert_element_type3A_225 : vector<80x128xi32> to vector<80x128xf32>
    %reduce_sum3A_227 = arith.constant dense<0.000000e+00> : vector<128xf32>
    %reduce_sum3A_228 = vector.multi_reduction <add>, %convert_element_type3A_226, %reduce_sum3A_227 [0] : vector<80x128xf32> to vector<128xf32>
    %broadcast_in_dim3A_229 = vector.shape_cast %reduce_sum3A_228 : vector<128xf32> to vector<1x128xf32>
    %eq3A_230 = arith.constant 29 : i32
    %eq3A_231 = vector.broadcast %eq3A_230 : i32 to vector<80x128xi32>
    %eq3A_232 = arith.cmpi eq, %get3A_1, %eq3A_231 : vector<80x128xi32>
    %convert_element_type3A_233 = arith.extui %eq3A_232 : vector<80x128xi1> to vector<80x128xi32>
    %convert_element_type3A_234 = arith.sitofp %convert_element_type3A_233 : vector<80x128xi32> to vector<80x128xf32>
    %reduce_sum3A_235 = arith.constant dense<0.000000e+00> : vector<128xf32>
    %reduce_sum3A_236 = vector.multi_reduction <add>, %convert_element_type3A_234, %reduce_sum3A_235 [0] : vector<80x128xf32> to vector<128xf32>
    %broadcast_in_dim3A_237 = vector.shape_cast %reduce_sum3A_236 : vector<128xf32> to vector<1x128xf32>
    %eq3A_238 = arith.constant 30 : i32
    %eq3A_239 = vector.broadcast %eq3A_238 : i32 to vector<80x128xi32>
    %eq3A_240 = arith.cmpi eq, %get3A_1, %eq3A_239 : vector<80x128xi32>
    %convert_element_type3A_241 = arith.extui %eq3A_240 : vector<80x128xi1> to vector<80x128xi32>
    %convert_element_type3A_242 = arith.sitofp %convert_element_type3A_241 : vector<80x128xi32> to vector<80x128xf32>
    %reduce_sum3A_243 = arith.constant dense<0.000000e+00> : vector<128xf32>
    %reduce_sum3A_244 = vector.multi_reduction <add>, %convert_element_type3A_242, %reduce_sum3A_243 [0] : vector<80x128xf32> to vector<128xf32>
    %broadcast_in_dim3A_245 = vector.shape_cast %reduce_sum3A_244 : vector<128xf32> to vector<1x128xf32>
    %eq3A_246 = arith.constant 31 : i32
    %eq3A_247 = vector.broadcast %eq3A_246 : i32 to vector<80x128xi32>
    %eq3A_248 = arith.cmpi eq, %get3A_1, %eq3A_247 : vector<80x128xi32>
    %convert_element_type3A_249 = arith.extui %eq3A_248 : vector<80x128xi1> to vector<80x128xi32>
    %convert_element_type3A_250 = arith.sitofp %convert_element_type3A_249 : vector<80x128xi32> to vector<80x128xf32>
    %reduce_sum3A_251 = arith.constant dense<0.000000e+00> : vector<128xf32>
    %reduce_sum3A_252 = vector.multi_reduction <add>, %convert_element_type3A_250, %reduce_sum3A_251 [0] : vector<80x128xf32> to vector<128xf32>
    %broadcast_in_dim3A_253 = vector.shape_cast %reduce_sum3A_252 : vector<128xf32> to vector<1x128xf32>
    %eq3A_254 = arith.constant 32 : i32
    %eq3A_255 = vector.broadcast %eq3A_254 : i32 to vector<80x128xi32>
    %eq3A_256 = arith.cmpi eq, %get3A_1, %eq3A_255 : vector<80x128xi32>
    %convert_element_type3A_257 = arith.extui %eq3A_256 : vector<80x128xi1> to vector<80x128xi32>
    %convert_element_type3A_258 = arith.sitofp %convert_element_type3A_257 : vector<80x128xi32> to vector<80x128xf32>
    %reduce_sum3A_259 = arith.constant dense<0.000000e+00> : vector<128xf32>
    %reduce_sum3A_260 = vector.multi_reduction <add>, %convert_element_type3A_258, %reduce_sum3A_259 [0] : vector<80x128xf32> to vector<128xf32>
    %broadcast_in_dim3A_261 = vector.shape_cast %reduce_sum3A_260 : vector<128xf32> to vector<1x128xf32>
    %eq3A_262 = arith.constant 33 : i32
    %eq3A_263 = vector.broadcast %eq3A_262 : i32 to vector<80x128xi32>
    %eq3A_264 = arith.cmpi eq, %get3A_1, %eq3A_263 : vector<80x128xi32>
    %convert_element_type3A_265 = arith.extui %eq3A_264 : vector<80x128xi1> to vector<80x128xi32>
    %convert_element_type3A_266 = arith.sitofp %convert_element_type3A_265 : vector<80x128xi32> to vector<80x128xf32>
    %reduce_sum3A_267 = arith.constant dense<0.000000e+00> : vector<128xf32>
    %reduce_sum3A_268 = vector.multi_reduction <add>, %convert_element_type3A_266, %reduce_sum3A_267 [0] : vector<80x128xf32> to vector<128xf32>
    %broadcast_in_dim3A_269 = vector.shape_cast %reduce_sum3A_268 : vector<128xf32> to vector<1x128xf32>
    %eq3A_270 = arith.constant 34 : i32
    %eq3A_271 = vector.broadcast %eq3A_270 : i32 to vector<80x128xi32>
    %eq3A_272 = arith.cmpi eq, %get3A_1, %eq3A_271 : vector<80x128xi32>
    %convert_element_type3A_273 = arith.extui %eq3A_272 : vector<80x128xi1> to vector<80x128xi32>
    %convert_element_type3A_274 = arith.sitofp %convert_element_type3A_273 : vector<80x128xi32> to vector<80x128xf32>
    %reduce_sum3A_275 = arith.constant dense<0.000000e+00> : vector<128xf32>
    %reduce_sum3A_276 = vector.multi_reduction <add>, %convert_element_type3A_274, %reduce_sum3A_275 [0] : vector<80x128xf32> to vector<128xf32>
    %broadcast_in_dim3A_277 = vector.shape_cast %reduce_sum3A_276 : vector<128xf32> to vector<1x128xf32>
    %eq3A_278 = arith.constant 35 : i32
    %eq3A_279 = vector.broadcast %eq3A_278 : i32 to vector<80x128xi32>
    %eq3A_280 = arith.cmpi eq, %get3A_1, %eq3A_279 : vector<80x128xi32>
    %convert_element_type3A_281 = arith.extui %eq3A_280 : vector<80x128xi1> to vector<80x128xi32>
    %convert_element_type3A_282 = arith.sitofp %convert_element_type3A_281 : vector<80x128xi32> to vector<80x128xf32>
    %reduce_sum3A_283 = arith.constant dense<0.000000e+00> : vector<128xf32>
    %reduce_sum3A_284 = vector.multi_reduction <add>, %convert_element_type3A_282, %reduce_sum3A_283 [0] : vector<80x128xf32> to vector<128xf32>
    %broadcast_in_dim3A_285 = vector.shape_cast %reduce_sum3A_284 : vector<128xf32> to vector<1x128xf32>
    %eq3A_286 = arith.constant 36 : i32
    %eq3A_287 = vector.broadcast %eq3A_286 : i32 to vector<80x128xi32>
    %eq3A_288 = arith.cmpi eq, %get3A_1, %eq3A_287 : vector<80x128xi32>
    %convert_element_type3A_289 = arith.extui %eq3A_288 : vector<80x128xi1> to vector<80x128xi32>
    %convert_element_type3A_290 = arith.sitofp %convert_element_type3A_289 : vector<80x128xi32> to vector<80x128xf32>
    %reduce_sum3A_291 = arith.constant dense<0.000000e+00> : vector<128xf32>
    %reduce_sum3A_292 = vector.multi_reduction <add>, %convert_element_type3A_290, %reduce_sum3A_291 [0] : vector<80x128xf32> to vector<128xf32>
    %broadcast_in_dim3A_293 = vector.shape_cast %reduce_sum3A_292 : vector<128xf32> to vector<1x128xf32>
    %eq3A_294 = arith.constant 37 : i32
    %eq3A_295 = vector.broadcast %eq3A_294 : i32 to vector<80x128xi32>
    %eq3A_296 = arith.cmpi eq, %get3A_1, %eq3A_295 : vector<80x128xi32>
    %convert_element_type3A_297 = arith.extui %eq3A_296 : vector<80x128xi1> to vector<80x128xi32>
    %convert_element_type3A_298 = arith.sitofp %convert_element_type3A_297 : vector<80x128xi32> to vector<80x128xf32>
    %reduce_sum3A_299 = arith.constant dense<0.000000e+00> : vector<128xf32>
    %reduce_sum3A_300 = vector.multi_reduction <add>, %convert_element_type3A_298, %reduce_sum3A_299 [0] : vector<80x128xf32> to vector<128xf32>
    %broadcast_in_dim3A_301 = vector.shape_cast %reduce_sum3A_300 : vector<128xf32> to vector<1x128xf32>
    %eq3A_302 = arith.constant 38 : i32
    %eq3A_303 = vector.broadcast %eq3A_302 : i32 to vector<80x128xi32>
    %eq3A_304 = arith.cmpi eq, %get3A_1, %eq3A_303 : vector<80x128xi32>
    %convert_element_type3A_305 = arith.extui %eq3A_304 : vector<80x128xi1> to vector<80x128xi32>
    %convert_element_type3A_306 = arith.sitofp %convert_element_type3A_305 : vector<80x128xi32> to vector<80x128xf32>
    %reduce_sum3A_307 = arith.constant dense<0.000000e+00> : vector<128xf32>
    %reduce_sum3A_308 = vector.multi_reduction <add>, %convert_element_type3A_306, %reduce_sum3A_307 [0] : vector<80x128xf32> to vector<128xf32>
    %broadcast_in_dim3A_309 = vector.shape_cast %reduce_sum3A_308 : vector<128xf32> to vector<1x128xf32>
    %eq3A_310 = arith.constant 39 : i32
    %eq3A_311 = vector.broadcast %eq3A_310 : i32 to vector<80x128xi32>
    %eq3A_312 = arith.cmpi eq, %get3A_1, %eq3A_311 : vector<80x128xi32>
    %convert_element_type3A_313 = arith.extui %eq3A_312 : vector<80x128xi1> to vector<80x128xi32>
    %convert_element_type3A_314 = arith.sitofp %convert_element_type3A_313 : vector<80x128xi32> to vector<80x128xf32>
    %reduce_sum3A_315 = arith.constant dense<0.000000e+00> : vector<128xf32>
    %reduce_sum3A_316 = vector.multi_reduction <add>, %convert_element_type3A_314, %reduce_sum3A_315 [0] : vector<80x128xf32> to vector<128xf32>
    %broadcast_in_dim3A_317 = vector.shape_cast %reduce_sum3A_316 : vector<128xf32> to vector<1x128xf32>
    %eq3A_318 = arith.constant 40 : i32
    %eq3A_319 = vector.broadcast %eq3A_318 : i32 to vector<80x128xi32>
    %eq3A_320 = arith.cmpi eq, %get3A_1, %eq3A_319 : vector<80x128xi32>
    %convert_element_type3A_321 = arith.extui %eq3A_320 : vector<80x128xi1> to vector<80x128xi32>
    %convert_element_type3A_322 = arith.sitofp %convert_element_type3A_321 : vector<80x128xi32> to vector<80x128xf32>
    %reduce_sum3A_323 = arith.constant dense<0.000000e+00> : vector<128xf32>
    %reduce_sum3A_324 = vector.multi_reduction <add>, %convert_element_type3A_322, %reduce_sum3A_323 [0] : vector<80x128xf32> to vector<128xf32>
    %broadcast_in_dim3A_325 = vector.shape_cast %reduce_sum3A_324 : vector<128xf32> to vector<1x128xf32>
    %eq3A_326 = arith.constant 41 : i32
    %eq3A_327 = vector.broadcast %eq3A_326 : i32 to vector<80x128xi32>
    %eq3A_328 = arith.cmpi eq, %get3A_1, %eq3A_327 : vector<80x128xi32>
    %convert_element_type3A_329 = arith.extui %eq3A_328 : vector<80x128xi1> to vector<80x128xi32>
    %convert_element_type3A_330 = arith.sitofp %convert_element_type3A_329 : vector<80x128xi32> to vector<80x128xf32>
    %reduce_sum3A_331 = arith.constant dense<0.000000e+00> : vector<128xf32>
    %reduce_sum3A_332 = vector.multi_reduction <add>, %convert_element_type3A_330, %reduce_sum3A_331 [0] : vector<80x128xf32> to vector<128xf32>
    %broadcast_in_dim3A_333 = vector.shape_cast %reduce_sum3A_332 : vector<128xf32> to vector<1x128xf32>
    %eq3A_334 = arith.constant 42 : i32
    %eq3A_335 = vector.broadcast %eq3A_334 : i32 to vector<80x128xi32>
    %eq3A_336 = arith.cmpi eq, %get3A_1, %eq3A_335 : vector<80x128xi32>
    %convert_element_type3A_337 = arith.extui %eq3A_336 : vector<80x128xi1> to vector<80x128xi32>
    %convert_element_type3A_338 = arith.sitofp %convert_element_type3A_337 : vector<80x128xi32> to vector<80x128xf32>
    %reduce_sum3A_339 = arith.constant dense<0.000000e+00> : vector<128xf32>
    %reduce_sum3A_340 = vector.multi_reduction <add>, %convert_element_type3A_338, %reduce_sum3A_339 [0] : vector<80x128xf32> to vector<128xf32>
    %broadcast_in_dim3A_341 = vector.shape_cast %reduce_sum3A_340 : vector<128xf32> to vector<1x128xf32>
    %eq3A_342 = arith.constant 43 : i32
    %eq3A_343 = vector.broadcast %eq3A_342 : i32 to vector<80x128xi32>
    %eq3A_344 = arith.cmpi eq, %get3A_1, %eq3A_343 : vector<80x128xi32>
    %convert_element_type3A_345 = arith.extui %eq3A_344 : vector<80x128xi1> to vector<80x128xi32>
    %convert_element_type3A_346 = arith.sitofp %convert_element_type3A_345 : vector<80x128xi32> to vector<80x128xf32>
    %reduce_sum3A_347 = arith.constant dense<0.000000e+00> : vector<128xf32>
    %reduce_sum3A_348 = vector.multi_reduction <add>, %convert_element_type3A_346, %reduce_sum3A_347 [0] : vector<80x128xf32> to vector<128xf32>
    %broadcast_in_dim3A_349 = vector.shape_cast %reduce_sum3A_348 : vector<128xf32> to vector<1x128xf32>
    %eq3A_350 = arith.constant 44 : i32
    %eq3A_351 = vector.broadcast %eq3A_350 : i32 to vector<80x128xi32>
    %eq3A_352 = arith.cmpi eq, %get3A_1, %eq3A_351 : vector<80x128xi32>
    %convert_element_type3A_353 = arith.extui %eq3A_352 : vector<80x128xi1> to vector<80x128xi32>
    %convert_element_type3A_354 = arith.sitofp %convert_element_type3A_353 : vector<80x128xi32> to vector<80x128xf32>
    %reduce_sum3A_355 = arith.constant dense<0.000000e+00> : vector<128xf32>
    %reduce_sum3A_356 = vector.multi_reduction <add>, %convert_element_type3A_354, %reduce_sum3A_355 [0] : vector<80x128xf32> to vector<128xf32>
    %broadcast_in_dim3A_357 = vector.shape_cast %reduce_sum3A_356 : vector<128xf32> to vector<1x128xf32>
    %eq3A_358 = arith.constant 45 : i32
    %eq3A_359 = vector.broadcast %eq3A_358 : i32 to vector<80x128xi32>
    %eq3A_360 = arith.cmpi eq, %get3A_1, %eq3A_359 : vector<80x128xi32>
    %convert_element_type3A_361 = arith.extui %eq3A_360 : vector<80x128xi1> to vector<80x128xi32>
    %convert_element_type3A_362 = arith.sitofp %convert_element_type3A_361 : vector<80x128xi32> to vector<80x128xf32>
    %reduce_sum3A_363 = arith.constant dense<0.000000e+00> : vector<128xf32>
    %reduce_sum3A_364 = vector.multi_reduction <add>, %convert_element_type3A_362, %reduce_sum3A_363 [0] : vector<80x128xf32> to vector<128xf32>
    %broadcast_in_dim3A_365 = vector.shape_cast %reduce_sum3A_364 : vector<128xf32> to vector<1x128xf32>
    %eq3A_366 = arith.constant 46 : i32
    %eq3A_367 = vector.broadcast %eq3A_366 : i32 to vector<80x128xi32>
    %eq3A_368 = arith.cmpi eq, %get3A_1, %eq3A_367 : vector<80x128xi32>
    %convert_element_type3A_369 = arith.extui %eq3A_368 : vector<80x128xi1> to vector<80x128xi32>
    %convert_element_type3A_370 = arith.sitofp %convert_element_type3A_369 : vector<80x128xi32> to vector<80x128xf32>
    %reduce_sum3A_371 = arith.constant dense<0.000000e+00> : vector<128xf32>
    %reduce_sum3A_372 = vector.multi_reduction <add>, %convert_element_type3A_370, %reduce_sum3A_371 [0] : vector<80x128xf32> to vector<128xf32>
    %broadcast_in_dim3A_373 = vector.shape_cast %reduce_sum3A_372 : vector<128xf32> to vector<1x128xf32>
    %eq3A_374 = arith.constant 47 : i32
    %eq3A_375 = vector.broadcast %eq3A_374 : i32 to vector<80x128xi32>
    %eq3A_376 = arith.cmpi eq, %get3A_1, %eq3A_375 : vector<80x128xi32>
    %convert_element_type3A_377 = arith.extui %eq3A_376 : vector<80x128xi1> to vector<80x128xi32>
    %convert_element_type3A_378 = arith.sitofp %convert_element_type3A_377 : vector<80x128xi32> to vector<80x128xf32>
    %reduce_sum3A_379 = arith.constant dense<0.000000e+00> : vector<128xf32>
    %reduce_sum3A_380 = vector.multi_reduction <add>, %convert_element_type3A_378, %reduce_sum3A_379 [0] : vector<80x128xf32> to vector<128xf32>
    %broadcast_in_dim3A_381 = vector.shape_cast %reduce_sum3A_380 : vector<128xf32> to vector<1x128xf32>
    %eq3A_382 = arith.constant 48 : i32
    %eq3A_383 = vector.broadcast %eq3A_382 : i32 to vector<80x128xi32>
    %eq3A_384 = arith.cmpi eq, %get3A_1, %eq3A_383 : vector<80x128xi32>
    %convert_element_type3A_385 = arith.extui %eq3A_384 : vector<80x128xi1> to vector<80x128xi32>
    %convert_element_type3A_386 = arith.sitofp %convert_element_type3A_385 : vector<80x128xi32> to vector<80x128xf32>
    %reduce_sum3A_387 = arith.constant dense<0.000000e+00> : vector<128xf32>
    %reduce_sum3A_388 = vector.multi_reduction <add>, %convert_element_type3A_386, %reduce_sum3A_387 [0] : vector<80x128xf32> to vector<128xf32>
    %broadcast_in_dim3A_389 = vector.shape_cast %reduce_sum3A_388 : vector<128xf32> to vector<1x128xf32>
    %eq3A_390 = arith.constant 49 : i32
    %eq3A_391 = vector.broadcast %eq3A_390 : i32 to vector<80x128xi32>
    %eq3A_392 = arith.cmpi eq, %get3A_1, %eq3A_391 : vector<80x128xi32>
    %convert_element_type3A_393 = arith.extui %eq3A_392 : vector<80x128xi1> to vector<80x128xi32>
    %convert_element_type3A_394 = arith.sitofp %convert_element_type3A_393 : vector<80x128xi32> to vector<80x128xf32>
    %reduce_sum3A_395 = arith.constant dense<0.000000e+00> : vector<128xf32>
    %reduce_sum3A_396 = vector.multi_reduction <add>, %convert_element_type3A_394, %reduce_sum3A_395 [0] : vector<80x128xf32> to vector<128xf32>
    %broadcast_in_dim3A_397 = vector.shape_cast %reduce_sum3A_396 : vector<128xf32> to vector<1x128xf32>
    %eq3A_398 = arith.constant 50 : i32
    %eq3A_399 = vector.broadcast %eq3A_398 : i32 to vector<80x128xi32>
    %eq3A_400 = arith.cmpi eq, %get3A_1, %eq3A_399 : vector<80x128xi32>
    %convert_element_type3A_401 = arith.extui %eq3A_400 : vector<80x128xi1> to vector<80x128xi32>
    %convert_element_type3A_402 = arith.sitofp %convert_element_type3A_401 : vector<80x128xi32> to vector<80x128xf32>
    %reduce_sum3A_403 = arith.constant dense<0.000000e+00> : vector<128xf32>
    %reduce_sum3A_404 = vector.multi_reduction <add>, %convert_element_type3A_402, %reduce_sum3A_403 [0] : vector<80x128xf32> to vector<128xf32>
    %broadcast_in_dim3A_405 = vector.shape_cast %reduce_sum3A_404 : vector<128xf32> to vector<1x128xf32>
    %eq3A_406 = arith.constant 51 : i32
    %eq3A_407 = vector.broadcast %eq3A_406 : i32 to vector<80x128xi32>
    %eq3A_408 = arith.cmpi eq, %get3A_1, %eq3A_407 : vector<80x128xi32>
    %convert_element_type3A_409 = arith.extui %eq3A_408 : vector<80x128xi1> to vector<80x128xi32>
    %convert_element_type3A_410 = arith.sitofp %convert_element_type3A_409 : vector<80x128xi32> to vector<80x128xf32>
    %reduce_sum3A_411 = arith.constant dense<0.000000e+00> : vector<128xf32>
    %reduce_sum3A_412 = vector.multi_reduction <add>, %convert_element_type3A_410, %reduce_sum3A_411 [0] : vector<80x128xf32> to vector<128xf32>
    %broadcast_in_dim3A_413 = vector.shape_cast %reduce_sum3A_412 : vector<128xf32> to vector<1x128xf32>
    %eq3A_414 = arith.constant 52 : i32
    %eq3A_415 = vector.broadcast %eq3A_414 : i32 to vector<80x128xi32>
    %eq3A_416 = arith.cmpi eq, %get3A_1, %eq3A_415 : vector<80x128xi32>
    %convert_element_type3A_417 = arith.extui %eq3A_416 : vector<80x128xi1> to vector<80x128xi32>
    %convert_element_type3A_418 = arith.sitofp %convert_element_type3A_417 : vector<80x128xi32> to vector<80x128xf32>
    %reduce_sum3A_419 = arith.constant dense<0.000000e+00> : vector<128xf32>
    %reduce_sum3A_420 = vector.multi_reduction <add>, %convert_element_type3A_418, %reduce_sum3A_419 [0] : vector<80x128xf32> to vector<128xf32>
    %broadcast_in_dim3A_421 = vector.shape_cast %reduce_sum3A_420 : vector<128xf32> to vector<1x128xf32>
    %eq3A_422 = arith.constant 53 : i32
    %eq3A_423 = vector.broadcast %eq3A_422 : i32 to vector<80x128xi32>
    %eq3A_424 = arith.cmpi eq, %get3A_1, %eq3A_423 : vector<80x128xi32>
    %convert_element_type3A_425 = arith.extui %eq3A_424 : vector<80x128xi1> to vector<80x128xi32>
    %convert_element_type3A_426 = arith.sitofp %convert_element_type3A_425 : vector<80x128xi32> to vector<80x128xf32>
    %reduce_sum3A_427 = arith.constant dense<0.000000e+00> : vector<128xf32>
    %reduce_sum3A_428 = vector.multi_reduction <add>, %convert_element_type3A_426, %reduce_sum3A_427 [0] : vector<80x128xf32> to vector<128xf32>
    %broadcast_in_dim3A_429 = vector.shape_cast %reduce_sum3A_428 : vector<128xf32> to vector<1x128xf32>
    %eq3A_430 = arith.constant 54 : i32
    %eq3A_431 = vector.broadcast %eq3A_430 : i32 to vector<80x128xi32>
    %eq3A_432 = arith.cmpi eq, %get3A_1, %eq3A_431 : vector<80x128xi32>
    %convert_element_type3A_433 = arith.extui %eq3A_432 : vector<80x128xi1> to vector<80x128xi32>
    %convert_element_type3A_434 = arith.sitofp %convert_element_type3A_433 : vector<80x128xi32> to vector<80x128xf32>
    %reduce_sum3A_435 = arith.constant dense<0.000000e+00> : vector<128xf32>
    %reduce_sum3A_436 = vector.multi_reduction <add>, %convert_element_type3A_434, %reduce_sum3A_435 [0] : vector<80x128xf32> to vector<128xf32>
    %broadcast_in_dim3A_437 = vector.shape_cast %reduce_sum3A_436 : vector<128xf32> to vector<1x128xf32>
    %eq3A_438 = arith.constant 55 : i32
    %eq3A_439 = vector.broadcast %eq3A_438 : i32 to vector<80x128xi32>
    %eq3A_440 = arith.cmpi eq, %get3A_1, %eq3A_439 : vector<80x128xi32>
    %convert_element_type3A_441 = arith.extui %eq3A_440 : vector<80x128xi1> to vector<80x128xi32>
    %convert_element_type3A_442 = arith.sitofp %convert_element_type3A_441 : vector<80x128xi32> to vector<80x128xf32>
    %reduce_sum3A_443 = arith.constant dense<0.000000e+00> : vector<128xf32>
    %reduce_sum3A_444 = vector.multi_reduction <add>, %convert_element_type3A_442, %reduce_sum3A_443 [0] : vector<80x128xf32> to vector<128xf32>
    %broadcast_in_dim3A_445 = vector.shape_cast %reduce_sum3A_444 : vector<128xf32> to vector<1x128xf32>
    %eq3A_446 = arith.constant 56 : i32
    %eq3A_447 = vector.broadcast %eq3A_446 : i32 to vector<80x128xi32>
    %eq3A_448 = arith.cmpi eq, %get3A_1, %eq3A_447 : vector<80x128xi32>
    %convert_element_type3A_449 = arith.extui %eq3A_448 : vector<80x128xi1> to vector<80x128xi32>
    %convert_element_type3A_450 = arith.sitofp %convert_element_type3A_449 : vector<80x128xi32> to vector<80x128xf32>
    %reduce_sum3A_451 = arith.constant dense<0.000000e+00> : vector<128xf32>
    %reduce_sum3A_452 = vector.multi_reduction <add>, %convert_element_type3A_450, %reduce_sum3A_451 [0] : vector<80x128xf32> to vector<128xf32>
    %broadcast_in_dim3A_453 = vector.shape_cast %reduce_sum3A_452 : vector<128xf32> to vector<1x128xf32>
    %eq3A_454 = arith.constant 57 : i32
    %eq3A_455 = vector.broadcast %eq3A_454 : i32 to vector<80x128xi32>
    %eq3A_456 = arith.cmpi eq, %get3A_1, %eq3A_455 : vector<80x128xi32>
    %convert_element_type3A_457 = arith.extui %eq3A_456 : vector<80x128xi1> to vector<80x128xi32>
    %convert_element_type3A_458 = arith.sitofp %convert_element_type3A_457 : vector<80x128xi32> to vector<80x128xf32>
    %reduce_sum3A_459 = arith.constant dense<0.000000e+00> : vector<128xf32>
    %reduce_sum3A_460 = vector.multi_reduction <add>, %convert_element_type3A_458, %reduce_sum3A_459 [0] : vector<80x128xf32> to vector<128xf32>
    %broadcast_in_dim3A_461 = vector.shape_cast %reduce_sum3A_460 : vector<128xf32> to vector<1x128xf32>
    %eq3A_462 = arith.constant 58 : i32
    %eq3A_463 = vector.broadcast %eq3A_462 : i32 to vector<80x128xi32>
    %eq3A_464 = arith.cmpi eq, %get3A_1, %eq3A_463 : vector<80x128xi32>
    %convert_element_type3A_465 = arith.extui %eq3A_464 : vector<80x128xi1> to vector<80x128xi32>
    %convert_element_type3A_466 = arith.sitofp %convert_element_type3A_465 : vector<80x128xi32> to vector<80x128xf32>
    %reduce_sum3A_467 = arith.constant dense<0.000000e+00> : vector<128xf32>
    %reduce_sum3A_468 = vector.multi_reduction <add>, %convert_element_type3A_466, %reduce_sum3A_467 [0] : vector<80x128xf32> to vector<128xf32>
    %broadcast_in_dim3A_469 = vector.shape_cast %reduce_sum3A_468 : vector<128xf32> to vector<1x128xf32>
    %eq3A_470 = arith.constant 59 : i32
    %eq3A_471 = vector.broadcast %eq3A_470 : i32 to vector<80x128xi32>
    %eq3A_472 = arith.cmpi eq, %get3A_1, %eq3A_471 : vector<80x128xi32>
    %convert_element_type3A_473 = arith.extui %eq3A_472 : vector<80x128xi1> to vector<80x128xi32>
    %convert_element_type3A_474 = arith.sitofp %convert_element_type3A_473 : vector<80x128xi32> to vector<80x128xf32>
    %reduce_sum3A_475 = arith.constant dense<0.000000e+00> : vector<128xf32>
    %reduce_sum3A_476 = vector.multi_reduction <add>, %convert_element_type3A_474, %reduce_sum3A_475 [0] : vector<80x128xf32> to vector<128xf32>
    %broadcast_in_dim3A_477 = vector.shape_cast %reduce_sum3A_476 : vector<128xf32> to vector<1x128xf32>
    %eq3A_478 = arith.constant 60 : i32
    %eq3A_479 = vector.broadcast %eq3A_478 : i32 to vector<80x128xi32>
    %eq3A_480 = arith.cmpi eq, %get3A_1, %eq3A_479 : vector<80x128xi32>
    %convert_element_type3A_481 = arith.extui %eq3A_480 : vector<80x128xi1> to vector<80x128xi32>
    %convert_element_type3A_482 = arith.sitofp %convert_element_type3A_481 : vector<80x128xi32> to vector<80x128xf32>
    %reduce_sum3A_483 = arith.constant dense<0.000000e+00> : vector<128xf32>
    %reduce_sum3A_484 = vector.multi_reduction <add>, %convert_element_type3A_482, %reduce_sum3A_483 [0] : vector<80x128xf32> to vector<128xf32>
    %broadcast_in_dim3A_485 = vector.shape_cast %reduce_sum3A_484 : vector<128xf32> to vector<1x128xf32>
    %eq3A_486 = arith.constant 61 : i32
    %eq3A_487 = vector.broadcast %eq3A_486 : i32 to vector<80x128xi32>
    %eq3A_488 = arith.cmpi eq, %get3A_1, %eq3A_487 : vector<80x128xi32>
    %convert_element_type3A_489 = arith.extui %eq3A_488 : vector<80x128xi1> to vector<80x128xi32>
    %convert_element_type3A_490 = arith.sitofp %convert_element_type3A_489 : vector<80x128xi32> to vector<80x128xf32>
    %reduce_sum3A_491 = arith.constant dense<0.000000e+00> : vector<128xf32>
    %reduce_sum3A_492 = vector.multi_reduction <add>, %convert_element_type3A_490, %reduce_sum3A_491 [0] : vector<80x128xf32> to vector<128xf32>
    %broadcast_in_dim3A_493 = vector.shape_cast %reduce_sum3A_492 : vector<128xf32> to vector<1x128xf32>
    %eq3A_494 = arith.constant 62 : i32
    %eq3A_495 = vector.broadcast %eq3A_494 : i32 to vector<80x128xi32>
    %eq3A_496 = arith.cmpi eq, %get3A_1, %eq3A_495 : vector<80x128xi32>
    %convert_element_type3A_497 = arith.extui %eq3A_496 : vector<80x128xi1> to vector<80x128xi32>
    %convert_element_type3A_498 = arith.sitofp %convert_element_type3A_497 : vector<80x128xi32> to vector<80x128xf32>
    %reduce_sum3A_499 = arith.constant dense<0.000000e+00> : vector<128xf32>
    %reduce_sum3A_500 = vector.multi_reduction <add>, %convert_element_type3A_498, %reduce_sum3A_499 [0] : vector<80x128xf32> to vector<128xf32>
    %broadcast_in_dim3A_501 = vector.shape_cast %reduce_sum3A_500 : vector<128xf32> to vector<1x128xf32>
    %eq3A_502 = arith.constant 63 : i32
    %eq3A_503 = vector.broadcast %eq3A_502 : i32 to vector<80x128xi32>
    %eq3A_504 = arith.cmpi eq, %get3A_1, %eq3A_503 : vector<80x128xi32>
    %convert_element_type3A_505 = arith.extui %eq3A_504 : vector<80x128xi1> to vector<80x128xi32>
    %convert_element_type3A_506 = arith.sitofp %convert_element_type3A_505 : vector<80x128xi32> to vector<80x128xf32>
    %reduce_sum3A_507 = arith.constant dense<0.000000e+00> : vector<128xf32>
    %reduce_sum3A_508 = vector.multi_reduction <add>, %convert_element_type3A_506, %reduce_sum3A_507 [0] : vector<80x128xf32> to vector<128xf32>
    %broadcast_in_dim3A_509 = vector.shape_cast %reduce_sum3A_508 : vector<128xf32> to vector<1x128xf32>
    %concatenate3A = tpu.concatenate %broadcast_in_dim3A, %broadcast_in_dim3A_13, %broadcast_in_dim3A_21, %broadcast_in_dim3A_29, %broadcast_in_dim3A_37, %broadcast_in_dim3A_45, %broadcast_in_dim3A_53, %broadcast_in_dim3A_61, %broadcast_in_dim3A_69, %broadcast_in_dim3A_77, %broadcast_in_dim3A_85, %broadcast_in_dim3A_93, %broadcast_in_dim3A_101, %broadcast_in_dim3A_109, %broadcast_in_dim3A_117, %broadcast_in_dim3A_125, %broadcast_in_dim3A_133, %broadcast_in_dim3A_141, %broadcast_in_dim3A_149, %broadcast_in_dim3A_157, %broadcast_in_dim3A_165, %broadcast_in_dim3A_173, %broadcast_in_dim3A_181, %broadcast_in_dim3A_189, %broadcast_in_dim3A_197, %broadcast_in_dim3A_205, %broadcast_in_dim3A_213, %broadcast_in_dim3A_221, %broadcast_in_dim3A_229, %broadcast_in_dim3A_237, %broadcast_in_dim3A_245, %broadcast_in_dim3A_253, %broadcast_in_dim3A_261, %broadcast_in_dim3A_269, %broadcast_in_dim3A_277, %broadcast_in_dim3A_285, %broadcast_in_dim3A_293, %broadcast_in_dim3A_301, %broadcast_in_dim3A_309, %broadcast_in_dim3A_317, %broadcast_in_dim3A_325, %broadcast_in_dim3A_333, %broadcast_in_dim3A_341, %broadcast_in_dim3A_349, %broadcast_in_dim3A_357, %broadcast_in_dim3A_365, %broadcast_in_dim3A_373, %broadcast_in_dim3A_381, %broadcast_in_dim3A_389, %broadcast_in_dim3A_397, %broadcast_in_dim3A_405, %broadcast_in_dim3A_413, %broadcast_in_dim3A_421, %broadcast_in_dim3A_429, %broadcast_in_dim3A_437, %broadcast_in_dim3A_445, %broadcast_in_dim3A_453, %broadcast_in_dim3A_461, %broadcast_in_dim3A_469, %broadcast_in_dim3A_477, %broadcast_in_dim3A_485, %broadcast_in_dim3A_493, %broadcast_in_dim3A_501, %broadcast_in_dim3A_509 in 0 : vector<1x128xf32>, vector<1x128xf32>, vector<1x128xf32>, vector<1x128xf32>, vector<1x128xf32>, vector<1x128xf32>, vector<1x128xf32>, vector<1x128xf32>, vector<1x128xf32>, vector<1x128xf32>, vector<1x128xf32>, vector<1x128xf32>, vector<1x128xf32>, vector<1x128xf32>, vector<1x128xf32>, vector<1x128xf32>, vector<1x128xf32>, vector<1x128xf32>, vector<1x128xf32>, vector<1x128xf32>, vector<1x128xf32>, vector<1x128xf32>, vector<1x128xf32>, vector<1x128xf32>, vector<1x128xf32>, vector<1x128xf32>, vector<1x128xf32>, vector<1x128xf32>, vector<1x128xf32>, vector<1x128xf32>, vector<1x128xf32>, vector<1x128xf32>, vector<1x128xf32>, vector<1x128xf32>, vector<1x128xf32>, vector<1x128xf32>, vector<1x128xf32>, vector<1x128xf32>, vector<1x128xf32>, vector<1x128xf32>, vector<1x128xf32>, vector<1x128xf32>, vector<1x128xf32>, vector<1x128xf32>, vector<1x128xf32>, vector<1x128xf32>, vector<1x128xf32>, vector<1x128xf32>, vector<1x128xf32>, vector<1x128xf32>, vector<1x128xf32>, vector<1x128xf32>, vector<1x128xf32>, vector<1x128xf32>, vector<1x128xf32>, vector<1x128xf32>, vector<1x128xf32>, vector<1x128xf32>, vector<1x128xf32>, vector<1x128xf32>, vector<1x128xf32>, vector<1x128xf32>, vector<1x128xf32>, vector<1x128xf32> -> vector<64x128xf32>
    %reduce_sum3A_510 = arith.constant dense<0.000000e+00> : vector<64xf32>
    %reduce_sum3A_511 = vector.multi_reduction <add>, %concatenate3A, %reduce_sum3A_510 [1] : vector<64x128xf32> to vector<64xf32>
    %broadcast_in_dim3A_512 = vector.shape_cast %reduce_sum3A_511 : vector<64xf32> to vector<64x1xf32>
    %max3A = arith.constant 1.000000e+00 : f32
    %max3A_513 = vector.broadcast %max3A : f32 to vector<64x1xf32>
    %max3A_514 = arith.maximumf %broadcast_in_dim3A_512, %max3A_513 : vector<64x1xf32>
    %div3A = arith.constant 1.000000e+00 : f32
    %div3A_515 = vector.broadcast %div3A : f32 to vector<64x1xf32>
    %div3A_516 = arith.divf %div3A_515, %max3A_514 : vector<64x1xf32>
    %swap3A = arith.constant 0 : index
    %swap3A_517 = arith.constant 0 : index
    %swap3A_518 = vector.load %arg1[%swap3A, %swap3A_517] : memref<64x1xf32, #tpu.memory_space<vmem>>, vector<64x1xf32>
    tpu.vector_store %arg1[%swap3A, %swap3A_517], %div3A_516 {strides = array<i32>} : memref<64x1xf32, #tpu.memory_space<vmem>>, vector<64x1xf32>,
    return
  }
}

</mosaic_0001>

<sc_bundles>
// kernel: kernel.5.cloned.1.call-start
scs
__scs_entry_jumppad:
0x0: {  	(pc) =	sbr.rel $0x88, $3  }
0x1: {  	(tag) =	ssettag $0x0;
	lr =	simm.s32 $0x1  }
0x2: {  	[smem:$0x3F9A] =	sst lr;
	_ =	strace $0xD0000000  }
0x3: {  	_ = 	snop  }
0x4: {  	_ = 	snop  }
0x5: {  	_ = 	snop  }
0x6: {  	_ = 	snop  }
0x7: {  	_ = 	snop  }
__scs_overlays_trampoline_lowered:
0x8: {  	[smem:$0x3FA9] =	sst s0  }
0x9: {  	[smem:$0x3FAA] =	sst s1  }
0xa: {  	[smem:$0x3FAB] =	sst s2  }
0xb: {  	[smem:$0x3FAC] =	sst s3  }
0xc: {  	[smem:$0x3FAD] =	sst s4  }
0xd: {  	[smem:$0x3FAE] =	sst s5  }
0xe: {  	[smem:$0x3FAF] =	sst s6  }
0xf: {  	[smem:$0x3FB0] =	sst s7  }
0x10: {  	[smem:$0x3FB1] =	sst s8  }
0x11: {  	[smem:$0x3FB2] =	sst s9;
	s0 =	simm.s32 @!p0 $0x0  }
0x12: {  	s1 =	sld [smem:$0x3F98];
	s0 =	simm.s32 @p0 $0x1  }
0x13: {  	[smem:$0x3FB3] =	sst s0;
	s0 =	simm.s32 @!p1 $0x0  }
0x14: {  	s2 =	sld [smem:$0x3F97];
	s0 =	simm.s32 @p1 $0x1  }
0x15: {  	[smem:$0x3FB4] =	sst s0;
	s0 =	simm.s32 @!p2 $0x0  }
0x16: {  	s3 =	sld [smem:$0x3FDB];
	s0 =	simm.s32 @p2 $0x1  }
0x17: {  	s4 =	simm.s32 $0x1BF5;
	[smem:$0x3FB6] =	sst s0  }
0x18: {  	s0 =	sld [smem:$0x3F99];
	_ =	swait.ge [sflag:s4], $0x0  }
0x19: {  	s7 =	sld [smem:$0x3F9A]  }
0x1a: {  	s8 =	sadd.s32 $0xFFFFE003, lr  }
0x1b: {  	s9 =	sadd.s32 $0xFFFFFEF7, lr;
	s5 =	simm.s32 $0xFFFFFFFF;
	p2 =	slt.u32 s8, $0xFFFFF086  }
0x1c: {  	p1 =	slt.u32 s9, $0xF7A;
	s5 =	simm.s32 @!p2 $0x0  }
0x1d: {  	s5 =	simm.s32 @p1 $0x1;
	p0 =	seq.s32 s7, s2  }
0x1e: {  	s7 =	smul.u32 @!p0 $0xF7A, s2;
	p2 =	seq.s32 @!p0 s5, $0x0  }
0x1f: {  	s9 =	smul.u32 $0xF7A, s1;
	s8 =	simm.s32 @!p0 $0x1BF5;
	p2 =	por !p2, p0  }
0x20: {  	[sflag:s8] =	ssyncset.s32 @!p0 $0xFFFFF086;
	s6 =	sadd.s32 @!p0 s3, s7;
	s7 =	simm.s32 @!p0 $0x108  }
0x21: {  	s3 =	sadd.s32 s3, s9;
	s6 =	sadd.s32 @!p0 $0x88, s6;
	s7 =	simm.s32 @p2 $0x1082  }
0x22: {  	[simem:s7], [sflag:s8] =	dma.local @!p0 [hbm:s6], $0xF7A  }
0x23: {  	s9 =	sor.u32 $0xD0000000, s2;
	s6 =	simm.s32 $0x108;
	_ =	swait.ge @!p0 [sflag:s8], $0x0  }
0x24: {  	s3 =	sadd.s32 $0x88, s3;
	s6 =	simm.s32 @!p1 $0x1082;
	[sflag:s4] =	ssyncset.s32 $0xFFFFF086  }
0x25: {  	[simem:s6], [sflag:s4] =	dma.local [hbm:s3], $0xF7A  }
0x26: {  	[smem:$0x3F9A] =	sst s1;
	(tag) =	ssettag s2;
	_ =	strace s9  }
0x27: {  	s1 =	sld [smem:$0x3FAA]  }
0x28: {  	s2 =	sld [smem:$0x3FAB]  }
0x29: {  	s4 =	sld [smem:$0x3FAD]  }
0x2a: {  	p0 =	seq.s32 s5, $0x0;
	s5 =	sld [smem:$0x3FAE]  }
0x2b: {  	s6 =	sld [smem:$0x3FAF]  }
0x2c: {  	s7 =	sld [smem:$0x3FB0]  }
0x2d: {  	s3 =	simm.s32 $0x108;
	s8 =	sld [smem:$0x3FB1]  }
0x2e: {  	s3 =	simm.s32 @!p0 $0x1082;
	s9 =	sld [smem:$0x3FB2]  }
0x2f: {  	lr =	sadd.s32 s0, s3;
	s0 =	sld [smem:$0x3FA9]  }
0x30: {  	s3 =	sld [smem:$0x3FAC]  }
0x31: {  	[smem:$0x3FB5] =	sst s10  }
0x32: {  	s10 =	sld [smem:$0x3FB3];
	_ =	sdelay $0x3  }
0x33: {  	p0 =	seq.s32 s10, $0x1;
	s10 =	sld [smem:$0x3FB5];
	_ =	sdelay $0x3  }
0x34: {  	[smem:$0x3FB5] =	sst s10  }
0x35: {  	s10 =	sld [smem:$0x3FB4];
	_ =	sdelay $0x3  }
0x36: {  	p1 =	seq.s32 s10, $0x1;
	s10 =	sld [smem:$0x3FB5];
	_ =	sdelay $0x3  }
0x37: {  	[smem:$0x3FB5] =	sst s10  }
0x38: {  	s10 =	sld [smem:$0x3FB6]  }
0x39: {  	_ = 	snop;
	(pc) =	sbr.ind lr, $3  }
0x3a: {  	_ = 	snop  }
0x3b: {  	_ = 	snop  }
0x3c: {  	p2 =	seq.s32 s10, $0x1;
	s10 =	sld [smem:$0x3FB5]  }
0x3d: {  	_ =	shalt  }
0x3e: {  	_ =	shalt  }
0x3f: {  	_ =	shalt  }
0x40: {  	_ =	shalt  }
0x41: {  	_ =	shalt  }
0x42: {  	_ =	shalt  }
0x43: {  	_ =	shalt  }
0x44: {  	_ =	shalt  }
0x45: {  	_ =	shalt  }
0x46: {  	_ =	shalt  }
0x47: {  	_ =	shalt  }
0x48: {  	_ =	shalt  }
0x49: {  	_ =	shalt  }
0x4a: {  	_ =	shalt  }
0x4b: {  	_ =	shalt  }
0x4c: {  	_ =	shalt  }
0x4d: {  	_ =	shalt  }
0x4e: {  	_ =	shalt  }
0x4f: {  	_ =	shalt  }
0x50: {  	_ =	shalt  }
0x51: {  	_ =	shalt  }
0x52: {  	_ =	shalt  }
0x53: {  	_ =	shalt  }
0x54: {  	_ =	shalt  }
0x55: {  	_ =	shalt  }
0x56: {  	_ =	shalt  }
0x57: {  	_ =	shalt  }
0x58: {  	_ =	shalt  }
0x59: {  	_ =	shalt  }
0x5a: {  	_ =	shalt  }
0x5b: {  	_ =	shalt  }
0x5c: {  	_ =	shalt  }
0x5d: {  	_ =	shalt  }
0x5e: {  	_ =	shalt  }
0x5f: {  	_ =	shalt  }
0x60: {  	_ =	shalt  }
0x61: {  	_ =	shalt  }
0x62: {  	_ =	shalt  }
0x63: {  	_ =	shalt  }
0x64: {  	_ =	shalt  }
0x65: {  	_ =	shalt  }
0x66: {  	_ =	shalt  }
0x67: {  	_ =	shalt  }
0x68: {  	_ =	shalt  }
0x69: {  	_ =	shalt  }
0x6a: {  	_ =	shalt  }
0x6b: {  	_ =	shalt  }
0x6c: {  	_ =	shalt  }
0x6d: {  	_ =	shalt  }
0x6e: {  	_ =	shalt  }
0x6f: {  	_ =	shalt  }
0x70: {  	_ =	shalt  }
0x71: {  	_ =	shalt  }
0x72: {  	_ =	shalt  }
0x73: {  	_ =	shalt  }
0x74: {  	_ =	shalt  }
0x75: {  	_ =	shalt  }
0x76: {  	_ =	shalt  }
0x77: {  	_ =	shalt  }
0x78: {  	_ =	shalt  }
0x79: {  	_ =	shalt  }
0x7a: {  	_ =	shalt  }
0x7b: {  	_ =	shalt  }
0x7c: {  	_ =	shalt  }
0x7d: {  	_ =	shalt  }
0x7e: {  	_ =	shalt  }
0x7f: {  	_ =	shalt  }
0x80: {  	_ =	shalt  }
0x81: {  	_ =	shalt  }
0x82: {  	_ =	shalt  }
0x83: {  	_ =	shalt  }
0x84: {  	_ =	shalt  }
0x85: {  	_ =	shalt  }
0x86: {  	_ =	shalt  }
0x87: {  	_ =	shalt  }
.Lfunc_end0:
.L_simem_size_0:
called_computation_lowered:
.L_overlay_start_0:
0x88: {  	s2 =	sld [smem:$0x3FD9]  }
0x89: {  	s3 =	sld [smem:$0x3FFE];
	_ =	sdelay $0x1  }
0x8a: {  	s1 =	srdreg.scid  }
0x8b: {  	s0 =	sand.u32 $0x1, s1  }
0x8c: {  	s17 =	sshll.u32 s0, $0xA;
	s2 =	sadd.s32 s3, s2  }
0x8d: {  	s2 =	sadd.s32 s2, s17  }
0x8e: {  	[smem:$0x3FC1] =	sst s2  }
0x8f: {  	_ = 	snop  }
0x90: {  	s2 =	sld [smem:$0x3FC9]  }
0x91: {  	s18 =	sld [smem:$0x3FC7];
	(tm) =	ssettm $0x1  }
0x92: {  	s4 =	sld [smem:$0x3FFB];
	_ =	sdelay $0x3  }
0x93: {  	_ =	strace s4  }
0x94: {  	s4 =	sld [smem:$0x3FFC];
	_ =	sdelay $0x3  }
0x95: {  	_ =	strace s4  }
0x96: {  	s4 =	sld [smem:$0x3FFD];
	_ =	sdelay $0x3  }
0x97: {  	_ =	strace s4  }
0x98: {  	_ =	strace $0x8FFFFFFF  }
0x99: {  	s19 =	sld [smem:$0x3FDB];
	_ =	sdelay $0x1  }
0x9a: {  	s5 =	simm.s32 $_scs_section_size  }
0x9b: {  	s6 =	simm.s32 $_size__tile_overlayer_lowered;
	s7 =	simm.s32 $_tile_overlayer_lowered  }
0x9c: {  	s22 =	simm.s32 $0x1BFF;
	s21 =	sshll.u32 s7, $0x1;
	s4 =	sadd.s32 s5, s19  }
0x9d: {  	s8 =	simm.s32 $0x0;
	s20 =	sshll.u32 s6, $0x1;
	s6 =	sadd.s32 s21, s4  }
0x9e: {  	[timem:s8], [sflag:s22] =	dma.local [hbm:s6], s20  }
0x9f: {  	_ =	swait.ge [sflag:s22], s20  }
0xa0: {  	s5 =	ssub.s32 $0x0, s20;
	[sflag:s22] =	ssyncset.done $0x0  }
0xa1: {  	[sflag:s22] =	ssyncadd.s32 s5;
	_ =	sdelay $0x1  }
0xa2: {  	s23 =	simm.s32 $0x1B8B  }
0xa3: {  	_ =	swait.ge [sflag:s23], $0x1  }
0xa4: {  	[sflag:s23] =	ssyncset.done $0x0  }
0xa5: {  	s25 =	simm.s32 $0x1B8E;
	s24 =	sld [smem:$0x3FFE];
	[sflag:s23] =	ssyncadd.s32 $0xFFFFFFFF  }
0xa6: {  	s26 =	simm.s32 $execute0_lowered;
	[smem:$0x3FD2] =	sst s25  }
0xa7: {  	s6 =	sshll.u32 s26, $0x1;
	_ =	strace $0x80000046;
	[dreg:$0x1] =	wrdreg $0xFFFFFFFF  }
0xa8: {  	s28 =	simm.s32 $_size_execute0_lowered;
	s4 =	sadd.s32 s4, s6;
	[dreg:$0x0] =	wrdreg $0x0  }
0xa9: {  	s6 =	sshll.u32 s28, $0x1;
	[dreg:$0x2] =	wrdreg s4  }
0xaa: {  	[dreg:$0x3] =	wrdreg s6  }
0xab: {  	[dreg:$0x4] =	wrdreg $0xC0  }
0xac: {  	_ =	task [dreg:s8], $0x5FFFF  }
0xad: {  	[dreg:$0x1] =	wrdreg $0xFFFFFFFF  }
0xae: {  	[dreg:$0x0] =	wrdreg $0x60  }
0xaf: {  	[dreg:$0x2] =	wrdreg s2  }
0xb0: {  	[dreg:$0x3] =	wrdreg s18  }
0xb1: {  	[dreg:$0x4] =	wrdreg s24  }
0xb2: {  	[dreg:$0x5] =	wrdreg $0xA3800  }
0xb3: {  	[dreg:$0x6] =	wrdreg $0x9  }
0xb4: {  	_ =	task.clear_ibuf [dreg:s8], $0x7FFFF;
	_ =	strace $0x90000046  }
0xb5: {  	s29 =	simm.s32 $0x9;
	_ =	strace $0x80000048  }
0xb6: {  	_ =	swait.ge [sflag:s29], $0x1  }
0xb7: {  	[sflag:s29] =	ssyncadd.s32 $0xFFFFFFFF  }
0xb8: {  	_ =	strace $0x90000048  }
0xb9: {  	_ =	sfence  }
0xba: {  	s30 =	sld [smem:$0x0];
	_ =	sdelay $0x2  }
0xbb: {  	s31 =	sshll.u32 s1, $0xD;
	s1 =	sshrl.u32 s1, $0x2  }
0xbc: {  	s3 =	sand.u32 $0x4000, s31;
	s1 =	sadd.s32 s1, s30  }
0xbd: {  	s0 =	sor.u32 s3, s0;
	s1 =	sshll.u32 s1, $0x11  }
0xbe: {  	s0 =	sor.u32 s1, s0  }
0xbf: {  	s0 =	sadd.s32 $0x8F2B, s0  }
0xc0: {  	[sflag:s0] =	ssyncadd.remote.s32 $0x1  }
0xc1: {  	_ =	sfence.sel $0xFFFF  }
0xc2: {  	[dreg:$0x0] =	wrdreg $0xFFFFFFFF;
	(pc) =	sbr.abs _section_cstart, $3  }
0xc3: {  	[dreg:$0x1] =	wrdreg $0xFFFFFFFF  }
0xc4: {  	_ =	task.clear_ibuf [dreg:s8], $0x2FFFF;
	_ =	strace $0x9FFFFFFF  }
0xc5: {  	(tm) =	ssettm $0x7FFFFFFF  }
tec
execute0_lowered:
.L_overlay_start_1:
0x0: {  	(tag) =	ssettag $0x1  }
0x1: {  	s4 =	rddreg [dreg:$0x0]  }
0x2: {  	s3 =	rddreg [dreg:$0x1]  }
0x3: {  	s5 =	rddreg [dreg:$0x2]  }
0x4: {  	s1 =	rddreg [dreg:$0x3];
	s2 =	srdreg.scid  }
0x5: {  	s0 =	rddreg [dreg:$0x4];
	s23 =	stileid.u32;
	s13 =	simm.s32 $0xA180  }
0x6: {  	s14 =	simm.s32 $0x5;
	s15 =	simm.s32 $0x1;
	s16 =	simm.s32 $0x2  }
0x7: {  	s17 =	simm.s32 $0x5000;
	s18 =	simm.s32 $0x3;
	s19 =	simm.s32 $0x7800  }
0x8: {  	s20 =	simm.s32 $0x50;
	s21 =	simm.s32 $0xA050;
	s22 =	simm.s32 $0xA0A0  }
0x9: {  	s6 =	sand.u32 $0x1, s2;
	s2 =	simm.s32 $0x0;
	s8 =	sshll.u32 s23, $0x2  }
0xa: {  	s31 =	sshll.u32 s23, $0x9;
	p1 =	sne.s32 s23, $0x0;
	s7 =	sshll.u32 s6, $0x6  }
0xb: {  	s23 =	simm.s32 $0xA0F0;
	[smem:$0x7FF] =	sst s2;
	s7 =	sor.u32 s8, s7  }
0xc: {  	s25 =	ssub.s32 $0x2, s6;
	s6 =	sshll.u32 s6, $0xA;
	s9 =	smin.u32 s7, $0x79  }
0xd: {  	_ =	strace $0x80000047;
	s10 =	sshrl.u32 s25, $0x1;
	s11 =	smul.u32 $0x2800, s9  }
0xe: {  	s12 =	sadd.s32 s6, s5;
	s6 =	sadd.s32 s31, s1;
	s26 =	smul.u32 $0xA, s9  }
0xf: {  	s10 =	ssub.s32 s25, s10;
	s24 =	ssub.s32 s7, s9;
	s28 =	smul.u32 $0x500, s9  }
0x10: {  	s9 =	sadd.s32 $0x1600, s12;
	s10 =	smax.u32 s10, $0x1;
	s12 =	simm.s32 $0x2800  }
.Ltmp0:
0x11: {  	p0 =	sgt.s32 s24, $0x0;
	p2 =	sgt.s32 s24, $0x1;
	(pc) =	sbr.rel .LBB2_1-.Ltmp0, $4  }
0x12: {  	p3 =	sgt.s32 s24, $0x2;
	p4 =	slt.s32 s24, $0x3;
	p5 =	sgt.s32 s24, $0x3  }
0x13: {  	s24 =	simm.s32 $0x4;
	s29 =	sshrl.u32 s11, $0x3;
	s3 =	sadd.s32 s3, s26  }
0x14: {  	s11 =	simm.s32 $0xA000;
	s30 =	sadd.s32 s4, s29;
	s4 =	sadd.s32 s4, s28  }
0x15: {  	v0 =	vimm.f32 $0.0e+00;
	s5 =	sadd.s32 $0x500, s30;
	s7 =	sadd.s32 $0xA00, s30;
	s8 =	sadd.s32 $0xF00, s30  }
.LBB2_4:
0x16: {  	_ =	swait.ge [sflag:s24], $0x2800  }
0x17: {  	[sflag:s24] =	ssyncset.done $0x0  }
0x18: {  	[sflag:s24] =	ssyncadd.s32 $0xFFFFD800  }
.LBB2_9:
0x19: {  	_ =	swait.ge [sflag:s24], $0x2800  }
0x1a: {  	[sflag:s24] =	ssyncset.done $0x0  }
0x1b: {  	[sflag:s24] =	ssyncadd.s32 $0xFFFFD800  }
.LBB2_11:
0x1c: {  	_ =	swait.ge [sflag:s24], $0x2800  }
0x1d: {  	[sflag:s24] =	ssyncset.done $0x0  }
0x1e: {  	[sflag:s24] =	ssyncadd.s32 $0xFFFFD800  }
.LBB2_12:
0x1f: {  	_ =	swait.ge [sflag:s24], $0x2800  }
0x20: {  	[sflag:s24] =	ssyncset.done $0x0  }
0x21: {  	[sflag:s24] =	ssyncadd.s32 $0xFFFFD800  }
.LBB2_13:
0x22: {  	[bflag:$0x0] =	sbarrier.arrive $0xFFFF  }
0x23: {  	s25 =	sshrl.u32 @!p1 s1, $0x3;
	s26 =	simm.s32 @!p1 $0x1C05;
	s10 =	sadd.s32 $0xFFFFFFFF, s10  }
0x24: {  	[hbm:s9], [sflag:s26] =	dma.local @!p1 [spmem:s25], $0x400  }
0x25: {  	p6 =	sne.s32 s10, $0x0  }
.Ltmp1:
0x26: {  	_ = 	snop;
	(pc) =	sbr.rel @!p6 .LBB2_14-.Ltmp1, $4  }
0x27: {  	s25 =	simm.s32 @!p1 $0x5  }
0x28: {  	_ =	swait.ge @!p1 [sflag:s25], $0x400  }
0x29: {  	[sflag:s25] =	ssyncset.done @!p1 $0x0  }
0x2a: {  	[sflag:s25] =	ssyncadd.s32 @!p1 $0xFFFFFC00  }
.LBB2_1:
0x2b: {  	[tilespmem:$0xA180] =	vst v0  }
0x2c: {  	[tilespmem:$0xA190] =	vst v0  }
0x2d: {  	[tilespmem:$0xA1A0] =	vst v0  }
0x2e: {  	[tilespmem:$0xA1B0] =	vst v0  }
0x2f: {  	[tilespmem:$0xA1C0] =	vst v0  }
0x30: {  	[tilespmem:$0xA1D0] =	vst v0  }
0x31: {  	[tilespmem:$0xA1E0] =	vst v0  }
0x32: {  	[tilespmem:$0xA1F0] =	vst v0  }
0x33: {  	[tilespmem:$0xA200] =	vst v0  }
0x34: {  	[tilespmem:$0xA210] =	vst v0  }
0x35: {  	[tilespmem:$0xA220] =	vst v0  }
0x36: {  	[tilespmem:$0xA230] =	vst v0  }
0x37: {  	[tilespmem:$0xA240] =	vst v0  }
0x38: {  	[tilespmem:$0xA250] =	vst v0  }
0x39: {  	[tilespmem:$0xA260] =	vst v0  }
0x3a: {  	[tilespmem:$0xA270] =	vst v0  }
0x3b: {  	[tilespmem:$0xA280] =	vst v0  }
0x3c: {  	[tilespmem:$0xA290] =	vst v0  }
0x3d: {  	[tilespmem:$0xA2A0] =	vst v0  }
0x3e: {  	[tilespmem:$0xA2B0] =	vst v0  }
0x3f: {  	[tilespmem:$0xA2C0] =	vst v0  }
0x40: {  	[tilespmem:$0xA2D0] =	vst v0  }
0x41: {  	[tilespmem:$0xA2E0] =	vst v0  }
0x42: {  	[tilespmem:$0xA2F0] =	vst v0  }
0x43: {  	[tilespmem:$0xA300] =	vst v0  }
0x44: {  	[tilespmem:$0xA310] =	vst v0  }
0x45: {  	[tilespmem:$0xA320] =	vst v0  }
0x46: {  	[tilespmem:$0xA330] =	vst v0  }
0x47: {  	[tilespmem:$0xA340] =	vst v0  }
0x48: {  	[tilespmem:$0xA350] =	vst v0  }
0x49: {  	[tilespmem:$0xA360] =	vst v0  }
0x4a: {  	[tilespmem:$0xA370] =	vst v0  }
0x4b: {  	[tilespmem:s11], [sflag:$0x1] =	stream.linear.gather [hbm4b:s3+s2], $0x140, $0x38;
	[tilespmem:$0xA580] =	vst v63  }
0x4c: {  	_ = 	snop  }
0x4d: {  	[tilespmem:s2], [sflag:$0x2] =	stream.linear.gather [hbm4b:s4+s2], $0x2800, $0x38;
	[tilespmem:$0xA580] =	vst v63  }
0x4e: {  	_ = 	snop  }
0x4f: {  	[tilespmem:s12], [sflag:$0x3] =	stream.linear.gather [hbm4b:s5+s2], $0x2800, $0x38;
	[tilespmem:$0xA580] =	vst v63  }
0x50: {  	_ = 	snop  }
0x51: {  	[spmem:s6] =	stream.linear.scatter [tilespmem:s13], [sflag:$0x5], $0x200, $0x38;
	[tilespmem:$0xA580] =	vst v63  }
0x52: {  	_ =	swait.ge [sflag:s14], $0x200  }
0x53: {  	[sflag:s14] =	ssyncset.done $0x0  }
0x54: {  	[sflag:s14] =	ssyncadd.s32 $0xFFFFFE00  }
0x55: {  	_ =	swait.ge [sflag:s15], $0x140  }
0x56: {  	[sflag:s15] =	ssyncset.done $0x0  }
0x57: {  	[sflag:s15] =	ssyncadd.s32 $0xFFFFFEC0  }
0x58: {  	[bflag:$0x0] =	sbarrier.arrive $0xFFFF  }
0x59: {  	_ =	swait.ge [sflag:s16], $0x2800  }
0x5a: {  	[sflag:s16] =	ssyncset.done $0x0  }
0x5b: {  	[sflag:s16] =	ssyncadd.s32 $0xFFFFD800  }
0x5c: {  	[tilespmem:s17], [sflag:$0x2] =	stream.linear.gather [hbm4b:s7+s2], $0x2800, $0x38;
	[tilespmem:$0xA580] =	vst v63  }
0x5d: {  	s25 =	simm.s32 @!p0 $0x50;
	s26 =	simm.s32 @!p0 $0xA000;
	s28 =	simm.s32 @!p0 $0x0  }
0x5e: {  	[spmem:s1] =	stream.indirect.scatter.add.f32 @!p0 [tilespmem:s28], [sflag:$0x4], $0x80, s26, s25, $0xb8;
	[tilespmem:$0xA580] =	vst v63  }
.Ltmp2:
0x5f: {  	_ = 	snop;
	(pc) =	sbr.rel @p2 .LBB2_5-.Ltmp2, $4  }
0x60: {  	_ =	swait.ge [sflag:s18], $0x2800  }
0x61: {  	[sflag:s18] =	ssyncset.done $0x0  }
0x62: {  	[sflag:s18] =	ssyncadd.s32 $0xFFFFD800  }
0x63: {  	[tilespmem:s19], [sflag:$0x3] =	stream.linear.gather [hbm4b:s8+s2], $0x2800, $0x38;
	[tilespmem:$0xA580] =	vst v63  }
.Ltmp3:
0x64: {  	(pc) =	sbr.rel .LBB2_3-.Ltmp3, $4  }
0x65: {  	[spmem:s1] =	stream.indirect.scatter.add.f32 [tilespmem:s12], [sflag:$0x4], $0x80, s21, s20, $0xb8;
	[tilespmem:$0xA580] =	vst v63  }
0x66: {  	_ =	swait.ge [sflag:s16], $0x2800  }
0x67: {  	[sflag:s16] =	ssyncset.done $0x0  }
0x68: {  	[sflag:s16] =	ssyncadd.s32 $0xFFFFD800  }
.LBB2_5:
.Ltmp4:
0x69: {  	(pc) =	sbr.rel @!p4 .LBB2_6-.Ltmp4, $4  }
0x6a: {  	_ = 	snop  }
0x6b: {  	_ =	swait.ge [sflag:s16], $0x2800  }
0x6c: {  	[sflag:s16] =	ssyncset.done $0x0  }
0x6d: {  	[sflag:s16] =	ssyncadd.s32 $0xFFFFD800  }
.LBB2_3:
0x6e: {  	[spmem:s1] =	stream.indirect.scatter.add.f32 [tilespmem:s17], [sflag:$0x4], $0x80, s22, s20, $0xb8;
	[tilespmem:$0xA580] =	vst v63  }
.Ltmp5:
0x6f: {  	_ = 	snop;
	(pc) =	sbr.rel @!p0 .LBB2_4-.Ltmp5, $4  }
0x70: {  	_ =	swait.ge [sflag:s18], $0x2800  }
0x71: {  	[sflag:s18] =	ssyncset.done $0x0  }
0x72: {  	[sflag:s18] =	ssyncadd.s32 $0xFFFFD800  }
0x73: {  	[spmem:s1] =	stream.indirect.scatter.add.f32 [tilespmem:s19], [sflag:$0x4], $0x80, s23, s20, $0xb8;
	[tilespmem:$0xA580] =	vst v63  }
.Ltmp6:
0x74: {  	(pc) =	sbr.rel @!p2 .LBB2_9-.Ltmp6, $1  }
0x75: {  	_ =	sdelay $0x3  }
.Ltmp7:
0x76: {  	(pc) =	sbr.rel @p3 .LBB2_12-.Ltmp7, $4  }
.Ltmp8:
0x77: {  	(pc) =	sbr.rel @!p3 .LBB2_11-.Ltmp8, $4  }
0x78: {  	_ = 	snop  }
0x79: {  	_ = 	snop  }
0x7a: {  	_ = 	snop  }
0x7b: {  	_ = 	snop  }
.LBB2_6:
.Ltmp9:
0x7c: {  	(pc) =	sbr.rel @p5 .LBB2_13-.Ltmp9, $4  }
0x7d: {  	_ = 	snop  }
0x7e: {  	_ =	swait.ge [sflag:s18], $0x2800  }
0x7f: {  	[sflag:s18] =	ssyncset.done $0x0  }
0x80: {  	[sflag:s18] =	ssyncadd.s32 $0xFFFFD800  }
.Ltmp10:
0x81: {  	(pc) =	sbr.rel .LBB2_12-.Ltmp10, $2  }
0x82: {  	_ =	sdelay $0x2  }
0x83: {  	[spmem:s1] =	stream.indirect.scatter.add.f32 [tilespmem:s19], [sflag:$0x4], $0x80, s23, s20, $0xb8;
	[tilespmem:$0xA580] =	vst v63  }
.LBB2_14:
0x84: {  	_ =	sfence.sel $0x180000  }
0x85: {  	[bflag:$0x0] =	sbarrier.arrive $0xFFFF  }
0x86: {  	_ =	strace $0x90000047  }
0x87: {  	s0 =	sadd.s32 @!p1 $0x100000, s0;
	[bflag:$0x2] =	sbarrier.arrive $0xFFFF  }
0x88: {  	[sflag:s0] =	ssyncadd.tile.s32 @!p1 $0x1;
	_ =	shalt  }
.Lfunc_end2:
_tile_overlayer_lowered:
.L_overlay_start_2:
0x89: {  	(tag) =	ssettag $0x2  }
0x8a: {  	s0 =	rddreg [dreg:$0x0];
	s2 =	stileid.u32  }
0x8b: {  	s1 =	rddreg [dreg:$0x1];
	p0 =	sne.s32 s2, $0x0  }
0x8c: {  	s3 =	rddreg [dreg:$0x2];
	[bflag:$0x3] =	sbarrier.arrive $0xFFFF;
	s2 =	simm.s32 @!p0 $0x1C05  }
0x8d: {  	[timem:s3], [sflag:s2] =	dma.local @!p0 [hbm:s0], s1  }
0x8e: {  	s0 =	simm.s32 @!p0 $0x5  }
0x8f: {  	_ =	swait.ge @!p0 [sflag:s0], s1  }
0x90: {  	s1 =	ssub.s32 @!p0 $0x0, s1;
	[sflag:s0] =	ssyncset.done @!p0 $0x0  }
0x91: {  	[sflag:s0] =	ssyncadd.s32 @!p0 s1  }
0x92: {  	[bflag:$0x3] =	sbarrier.arrive $0xFFFF  }
0x93: {  	_ =	shalt  }

</sc_bundles>
